<compile_context>
chip_gen: v7x
topology: tpu7x:2x2x1
jax: 0.10.2.dev20260603
libtpu: 0.0.44.dev20260713+nightly
codegen_flags: <defaults>
</compile_context>

<pallas_src>
import jax
import jax.numpy as jnp
from jax import lax
from jax.experimental import pallas as pl
from jax.experimental.pallas import tpu as pltpu
from jax.experimental.pallas import tpu_sc as plsc

N_NODES = 10000
N_EDGES = 320000
IN_DIM = 128
HIDDEN = 16
OUT_DIM = 64

NC = 2
NS = 16
NW = NC * NS
NPAD = 10240
ROWS_PER_TILE = NPAD // NS

WIN = 1024
EDGES_PER_W = 10240
E_PAD = NW * EDGES_PER_W
NWIN = EDGES_PER_W // WIN
NUN = 2

_mesh = lambda: plsc.VectorSubcoreMesh(core_axis_name="c", subcore_axis_name="s")



def _deg_body(dst3_hbm, ones_hbm, out_hbm, didx_v, ones_v, acc_sp, sem, ssem):
    c = lax.axis_index("c")
    s = lax.axis_index("s")
    wid = c * NS + s
    r0 = s * ROWS_PER_TILE
    pltpu.sync_copy(ones_hbm.at[pl.ds(r0, ROWS_PER_TILE)],
                    acc_sp.at[pl.ds(r0, ROWS_PER_TILE)])
    pltpu.sync_copy(ones_hbm.at[pl.ds(0, WIN)], ones_v)
    pltpu.async_copy(dst3_hbm.at[wid], didx_v, sem).wait()
    plsc.subcore_barrier()

    def body(w, carry):
        pltpu.async_copy(ones_v, acc_sp.at[didx_v.at[w]], ssem,
                         add=True).wait()
        return carry

    lax.fori_loop(0, NWIN, body, 0)
    plsc.subcore_barrier()
    pltpu.sync_copy(acc_sp.at[pl.ds(r0, ROWS_PER_TILE)],
                    out_hbm.at[c, pl.ds(r0, ROWS_PER_TILE)])


def _deg_call(dst3, ones):
    return pl.kernel(
        _deg_body,
        out_type=jax.ShapeDtypeStruct((NC, NPAD, 1), jnp.float32),
        mesh=_mesh(),
        compiler_params=pltpu.CompilerParams(use_tc_tiling_on_sc=False),
        scratch_types=[
            pltpu.VMEM((NWIN, WIN), jnp.int32),
            pltpu.VMEM((WIN, 1), jnp.float32),
            pltpu.VMEM_SHARED((NPAD, 1), jnp.float32),
            pltpu.SemaphoreType.DMA,
            pltpu.SemaphoreType.DMA,
        ],
    )(dst3, ones)


def _agg_body(src3_hbm, dst3_hbm, feat_hbm, out_hbm,
              sidx_v, didx_v, rows_v, acc_sp, sem, *gs_sems):
    c = lax.axis_index("c")
    s = lax.axis_index("s")
    wid = c * NS + s
    r0 = s * ROWS_PER_TILE
    pltpu.sync_copy(feat_hbm.at[pl.ds(r0, ROWS_PER_TILE)],
                    acc_sp.at[pl.ds(r0, ROWS_PER_TILE)])
    pltpu.async_copy(src3_hbm.at[wid], sidx_v, sem).wait()
    pltpu.async_copy(dst3_hbm.at[wid], didx_v, sem).wait()
    plsc.subcore_barrier()

    sg = gs_sems[:NUN]
    ss = gs_sems[NUN]

    def body(i, carry):
        w0 = i * NUN
        gd = [pltpu.async_copy(feat_hbm.at[sidx_v.at[w0 + b]],
                               rows_v.at[b], sg[b])
              for b in range(NUN)]
        for b in range(NUN):
            gd[b].wait()
            pltpu.async_copy(rows_v.at[b], acc_sp.at[didx_v.at[w0 + b]],
                             ss, add=True).wait()
        return carry

    lax.fori_loop(0, NWIN // NUN, body, 0)
    plsc.subcore_barrier()
    pltpu.sync_copy(acc_sp.at[pl.ds(r0, ROWS_PER_TILE)],
                    out_hbm.at[c, pl.ds(r0, ROWS_PER_TILE)])


def _agg_call(src3, dst3, feat):
    return pl.kernel(
        _agg_body,
        out_type=jax.ShapeDtypeStruct((NC, NPAD, HIDDEN), jnp.float32),
        mesh=_mesh(),
        compiler_params=pltpu.CompilerParams(use_tc_tiling_on_sc=False),
        scratch_types=[
            pltpu.VMEM((NWIN, WIN), jnp.int32),
            pltpu.VMEM((NWIN, WIN), jnp.int32),
            pltpu.VMEM((NUN, WIN, HIDDEN), jnp.float32),
            pltpu.VMEM_SHARED((NPAD, HIDDEN), jnp.float32),
        ] + [pltpu.SemaphoreType.DMA] * (1 + NUN + 1),
    )(src3, dst3, feat)


def _agg2_body(src3_hbm, dst3_hbm, aggp1_hbm, hs_hbm, dd_hbm, b1_hbm,
               out_hbm, g_hbm,
               sidx_v, didx_v, rows_v, q0_v, q1_v, hs_v, dd_v, g_v, b1_v,
               acc_sp, sem, *gs_sems):
    c = lax.axis_index("c")
    s = lax.axis_index("s")
    wid = c * NS + s
    r0 = s * ROWS_PER_TILE
    sl = pl.ds(r0, ROWS_PER_TILE)
    pltpu.sync_copy(aggp1_hbm.at[0, sl], q0_v)
    pltpu.sync_copy(aggp1_hbm.at[1, sl], q1_v)
    pltpu.sync_copy(hs_hbm.at[sl], hs_v)
    pltpu.sync_copy(dd_hbm.at[sl], dd_v)
    pltpu.sync_copy(b1_hbm, b1_v)
    pltpu.async_copy(src3_hbm.at[wid], sidx_v, sem).wait()
    pltpu.async_copy(dst3_hbm.at[wid], didx_v, sem).wait()

    def row(r, carry):
        t = dd_v[r] * (q0_v[r] + q1_v[r] - hs_v[r]) + b1_v[...]
        g_v[r] = jnp.maximum(t, 0.0) * dd_v[r]
        return carry

    lax.fori_loop(0, ROWS_PER_TILE, row, 0)
    pltpu.sync_copy(g_v, g_hbm.at[sl])
    pltpu.sync_copy(g_v, acc_sp.at[sl])
    plsc.subcore_barrier()

    sg = gs_sems[:NUN]
    ss = gs_sems[NUN]

    def body(i, carry):
        w0 = i * NUN
        gd = [pltpu.async_copy(g_hbm.at[sidx_v.at[w0 + b]],
                               rows_v.at[b], sg[b])
              for b in range(NUN)]
        for b in range(NUN):
            gd[b].wait()
            pltpu.async_copy(rows_v.at[b], acc_sp.at[didx_v.at[w0 + b]],
                             ss, add=True).wait()
        return carry

    lax.fori_loop(0, NWIN // NUN, body, 0)
    plsc.subcore_barrier()
    pltpu.sync_copy(acc_sp.at[sl], out_hbm.at[c, sl])


def _agg2_call(src3, dst3, aggp1, hs, dd, b1):
    return pl.kernel(
        _agg2_body,
        out_type=(
            jax.ShapeDtypeStruct((NC, NPAD, HIDDEN), jnp.float32),
            jax.ShapeDtypeStruct((NPAD, HIDDEN), jnp.float32),
        ),
        mesh=_mesh(),
        compiler_params=pltpu.CompilerParams(use_tc_tiling_on_sc=False),
        scratch_types=[
            pltpu.VMEM((NWIN, WIN), jnp.int32),
            pltpu.VMEM((NWIN, WIN), jnp.int32),
            pltpu.VMEM((NUN, WIN, HIDDEN), jnp.float32),
            pltpu.VMEM((ROWS_PER_TILE, HIDDEN), jnp.float32),
            pltpu.VMEM((ROWS_PER_TILE, HIDDEN), jnp.float32),
            pltpu.VMEM((ROWS_PER_TILE, HIDDEN), jnp.float32),
            pltpu.VMEM((ROWS_PER_TILE, HIDDEN), jnp.float32),
            pltpu.VMEM((ROWS_PER_TILE, HIDDEN), jnp.float32),
            pltpu.VMEM((HIDDEN,), jnp.float32),
            pltpu.VMEM_SHARED((NPAD, HIDDEN), jnp.float32),
        ] + [pltpu.SemaphoreType.DMA] * (1 + NUN + 1),
    )(src3, dst3, aggp1, hs, dd, b1)



def _dense1_body(x_ref, w1_ref, degp_ref, hs_ref, dinv_ref, dd_ref):
    deg = degp_ref[0] + degp_ref[1] - 1.0
    dinv = lax.rsqrt(deg)
    h = jnp.dot(x_ref[...], w1_ref[...], preferred_element_type=jnp.float32)
    hs_ref[...] = h * dinv
    dinv_ref[...] = dinv
    dd_ref[...] = jnp.broadcast_to(dinv, (NPAD, HIDDEN))


def _dense1_call(xpad, W1, degp):
    return pl.pallas_call(
        _dense1_body,
        out_shape=(
            jax.ShapeDtypeStruct((NPAD, HIDDEN), jnp.float32),
            jax.ShapeDtypeStruct((NPAD, 1), jnp.float32),
            jax.ShapeDtypeStruct((NPAD, HIDDEN), jnp.float32),
        ),
    )(xpad, W1, degp)


def _final_body(aggp_ref, g_ref, dinv_ref, w2_ref, b2_ref, out_ref):
    r = aggp_ref[0] + aggp_ref[1] - g_ref[...]
    pre = dinv_ref[...] * r
    out_ref[...] = (
        jnp.dot(pre, w2_ref[...], preferred_element_type=jnp.float32)
        + b2_ref[...]
    )


def _final_call(aggp, g, dinv, W2, b2):
    return pl.pallas_call(
        _final_body,
        out_shape=jax.ShapeDtypeStruct((NPAD, OUT_DIM), jnp.float32),
    )(aggp, g, dinv, W2, b2)



def kernel(x, edge_index, W1, b1, W2, b2):
    ei = edge_index.astype(jnp.int32)
    pad_n = E_PAD - N_EDGES
    pad_idx = N_NODES + (jnp.arange(pad_n, dtype=jnp.int32) % (NPAD - N_NODES))
    src3 = jnp.concatenate([ei[0], pad_idx]).reshape(NW, NWIN, WIN)
    dst3 = jnp.concatenate([ei[1], pad_idx]).reshape(NW, NWIN, WIN)
    xpad = jnp.pad(x, ((0, NPAD - N_NODES), (0, 0)))
    ones = jnp.ones((NPAD, 1), jnp.float32)

    degp = _deg_call(dst3, ones)
    hs, dinv, dd = _dense1_call(xpad, W1, degp)
    aggp1 = _agg_call(src3, dst3, hs)
    aggp2, g = _agg2_call(src3, dst3, aggp1, hs, dd, b1)
    out = _final_call(aggp2, g, dinv, W2, b2.reshape(1, OUT_DIM))
    return out[:N_NODES]

# --- scband reference (transcript-rebuilt; emitter-appended) ---
"""Pipeline reference for scband-gcnconv-net-89223650607759 (READ-ONLY COPY).

The authoritative reference and input builder live on the scoring server;
editing this copy changes nothing except your own understanding.
"""

import jax, jax.numpy as jnp
import numpy as np

N_NODES = 10000
N_EDGES = 320000
IN_DIM = 128
HIDDEN = 16
OUT_DIM = 64


def setup_inputs(seed: int = 0) -> dict:
    key = jax.random.key(seed)
    k1, k2, k3, k4, k5, k6 = jax.random.split(key, 6)
    x = jax.random.normal(k1, (N_NODES, IN_DIM), dtype=jnp.float32)
    edge_index = jax.random.randint(k2, (2, N_EDGES), 0, N_NODES, dtype=jnp.int64)
    # GCNConv weights (glorot-ish scaling)
    W1 = jax.random.normal(k3, (IN_DIM, HIDDEN), dtype=jnp.float32) * (1.0 / np.sqrt(IN_DIM))
    b1 = jnp.zeros((HIDDEN,), dtype=jnp.float32)
    W2 = jax.random.normal(k4, (HIDDEN, OUT_DIM), dtype=jnp.float32) * (1.0 / np.sqrt(HIDDEN))
    b2 = jnp.zeros((OUT_DIM,), dtype=jnp.float32)
    return {"x": x, "edge_index": edge_index, "W1": W1, "b1": b1, "W2": W2, "b2": b2}


def _gcn_conv(x, src, dst, W, b, n_nodes):
    # PyG GCNConv: linear transform, symmetric-normalized scatter-add aggregation
    h = x @ W
    ones = jnp.ones((src.shape[0],), dtype=h.dtype)
    deg = jnp.zeros((n_nodes,), dtype=h.dtype).at[dst].add(ones)
    dinv = jnp.where(deg > 0, deg ** -0.5, 0.0)
    norm = dinv[src] * dinv[dst]
    msg = h[src] * norm[:, None]
    out = jnp.zeros((n_nodes, h.shape[1]), dtype=h.dtype).at[dst].add(msg)
    return out + b


def reference(x, edge_index, W1, b1, W2, b2):
    n_nodes = x.shape[0]
    # add self-loops (GCNConv default add_self_loops=True)
    loop = jnp.arange(n_nodes, dtype=edge_index.dtype)
    src = jnp.concatenate([edge_index[0], loop])
    dst = jnp.concatenate([edge_index[1], loop])
    h = _gcn_conv(x, src, dst, W1, b1, n_nodes)
    h = jax.nn.relu(h)
    # F.dropout(training=self.training): identity in eval mode
    out = _gcn_conv(h, src, dst, W2, b2, n_nodes)
    return out

if __name__ == "__main__":
    import jax
    _d = setup_inputs()
    print(jax.jit(kernel)(*tuple(_d.values())))

</pallas_src>

<mosaic_0001>
#map = affine_map<(d0, d1) -> (0, 0, 0)>
#map1 = affine_map<(d0, d1) -> (0, 0)>
module attributes {stable_mosaic.version = 14 : i64} {
  func.func @_deg_body(%arg0: i32, %arg1: i32, %arg2: memref<32x10x1024xi32, #tpu.memory_space<hbm>>, %arg3: memref<10240x1xf32, #tpu.memory_space<hbm>>, %arg4: memref<2x10240x1xf32, #tpu.memory_space<hbm>>, %arg5: memref<10x1024xi32, #tpu.memory_space<vmem>>, %arg6: memref<1024x1xf32, #tpu.memory_space<vmem>>, %arg7: memref<10240x1xf32, #tpu.memory_space<vmem_shared>>, %arg8: memref<!tpu.dma_semaphore, #tpu.memory_space<semaphore_mem>>, %arg9: memref<!tpu.dma_semaphore, #tpu.memory_space<semaphore_mem>>) attributes {dimension_semantics = [#tpu.dimension_semantics<core_parallel>, #tpu.dimension_semantics<subcore_parallel>], iteration_bounds = array<i64: 2, 16>, scalar_prefetch = 0 : i64, scratch_operands = 5 : i64, tpu.core_type = #tpu.core_type<sc_vector_subcore>, window_params = [{transform_indices = #map}, {transform_indices = #map1}, {transform_indices = #map}]} {
    %mul3A = arith.constant 16 : i32
    %mul3A_0 = arith.muli %arg0, %mul3A : i32
    %add3A = arith.addi %mul3A_0, %arg1 : i32
    %mul3A_1 = arith.constant 640 : i32
    %mul3A_2 = arith.muli %arg1, %mul3A_1 : i32
    "tpu.region"() ({
      %run_scoped3A = tpu.sem_alloc : memref<!tpu.dma_semaphore, #tpu.memory_space<semaphore_mem>>
      %dma_start3A_23 = arith.constant 0 : i32
      %dma_start3A_24 = tpu.memref_slice %arg7[%mul3A_2, %dma_start3A_23] : memref<10240x1xf32, #tpu.memory_space<vmem_shared>> -> memref<640x1xf32, #tpu.memory_space<vmem_shared>>
      %dma_start3A_25 = arith.constant 0 : i32
      %dma_start3A_26 = tpu.memref_slice %arg3[%mul3A_2, %dma_start3A_25] : memref<10240x1xf32, #tpu.memory_space<hbm>> -> memref<640x1xf32, #tpu.memory_space<hbm>>
      tpu.enqueue_dma source(%dma_start3A_26 : memref<640x1xf32, #tpu.memory_space<hbm>>) target(%dma_start3A_24 : memref<640x1xf32, #tpu.memory_space<vmem_shared>>) target_semaphore(%run_scoped3A : memref<!tpu.dma_semaphore, #tpu.memory_space<semaphore_mem>>)
      %dma_wait3A_27 = arith.constant 0 : i32
      %dma_wait3A_28 = tpu.memref_slice %arg7[%mul3A_2, %dma_wait3A_27] : memref<10240x1xf32, #tpu.memory_space<vmem_shared>> -> memref<640x1xf32, #tpu.memory_space<vmem_shared>>
      %dma_wait3A_29 = arith.constant 0 : i32
      %dma_wait3A_30 = tpu.memref_slice %arg3[%mul3A_2, %dma_wait3A_29] : memref<10240x1xf32, #tpu.memory_space<hbm>> -> memref<640x1xf32, #tpu.memory_space<hbm>>
      tpu.wait_dma2 semaphore(%run_scoped3A : memref<!tpu.dma_semaphore, #tpu.memory_space<semaphore_mem>>) src(%dma_wait3A_30 : memref<640x1xf32, #tpu.memory_space<hbm>>) dst(%dma_wait3A_28 : memref<640x1xf32, #tpu.memory_space<vmem_shared>>)
      tpu.yield
    }) : () -> ()
    "tpu.region"() ({
      %run_scoped3A = tpu.sem_alloc : memref<!tpu.dma_semaphore, #tpu.memory_space<semaphore_mem>>
      %dma_start3A_23 = arith.constant 0 : i32
      %dma_start3A_24 = arith.constant 0 : i32
      %dma_start3A_25 = tpu.memref_slice %arg3[%dma_start3A_23, %dma_start3A_24] : memref<10240x1xf32, #tpu.memory_space<hbm>> -> memref<1024x1xf32, #tpu.memory_space<hbm>>
      %dma_start3A_26 = arith.constant 0 : i32
      %dma_start3A_27 = arith.constant 0 : i32
      %dma_start3A_28 = tpu.memref_slice %arg3[%dma_start3A_26, %dma_start3A_27] : memref<10240x1xf32, #tpu.memory_space<hbm>> -> memref<1024x1xf32, #tpu.memory_space<hbm>>
      tpu.enqueue_dma source(%dma_start3A_28 : memref<1024x1xf32, #tpu.memory_space<hbm>>) target(%arg6 : memref<1024x1xf32, #tpu.memory_space<vmem>>) target_semaphore(%run_scoped3A : memref<!tpu.dma_semaphore, #tpu.memory_space<semaphore_mem>>)
      %dma_wait3A_29 = arith.constant 0 : i32
      %dma_wait3A_30 = arith.constant 0 : i32
      %dma_wait3A_31 = tpu.memref_slice %arg3[%dma_wait3A_29, %dma_wait3A_30] : memref<10240x1xf32, #tpu.memory_space<hbm>> -> memref<1024x1xf32, #tpu.memory_space<hbm>>
      %dma_wait3A_32 = arith.constant 0 : i32
      %dma_wait3A_33 = arith.constant 0 : i32
      %dma_wait3A_34 = tpu.memref_slice %arg3[%dma_wait3A_32, %dma_wait3A_33] : memref<10240x1xf32, #tpu.memory_space<hbm>> -> memref<1024x1xf32, #tpu.memory_space<hbm>>
      tpu.wait_dma2 semaphore(%run_scoped3A : memref<!tpu.dma_semaphore, #tpu.memory_space<semaphore_mem>>) src(%dma_wait3A_34 : memref<1024x1xf32, #tpu.memory_space<hbm>>) dst(%arg6 : memref<1024x1xf32, #tpu.memory_space<vmem>>)
      tpu.yield
    }) : () -> ()
    %dma_start3A = arith.constant 0 : i32
    %dma_start3A_3 = arith.constant 0 : i32
    %dma_start3A_4 = tpu.memref_slice %arg2[%add3A, %dma_start3A, %dma_start3A_3] : memref<32x10x1024xi32, #tpu.memory_space<hbm>> -> memref<1x10x1024xi32, #tpu.memory_space<hbm>>
    %dma_start3A_5 = tpu.memref_squeeze %dma_start3A_4 : memref<1x10x1024xi32, #tpu.memory_space<hbm>> -> memref<10x1024xi32, #tpu.memory_space<hbm>>
    %dma_start3A_6 = arith.constant 0 : i32
    %dma_start3A_7 = arith.constant 0 : i32
    %dma_start3A_8 = tpu.memref_slice %arg2[%add3A, %dma_start3A_6, %dma_start3A_7] : memref<32x10x1024xi32, #tpu.memory_space<hbm>> -> memref<1x10x1024xi32, #tpu.memory_space<hbm>>
    %dma_start3A_9 = tpu.memref_squeeze %dma_start3A_8 : memref<1x10x1024xi32, #tpu.memory_space<hbm>> -> memref<10x1024xi32, #tpu.memory_space<hbm>>
    tpu.enqueue_dma source(%dma_start3A_9 : memref<10x1024xi32, #tpu.memory_space<hbm>>) target(%arg5 : memref<10x1024xi32, #tpu.memory_space<vmem>>) target_semaphore(%arg8 : memref<!tpu.dma_semaphore, #tpu.memory_space<semaphore_mem>>)
    %dma_wait3A = arith.constant 0 : i32
    %dma_wait3A_10 = arith.constant 0 : i32
    %dma_wait3A_11 = tpu.memref_slice %arg2[%add3A, %dma_wait3A, %dma_wait3A_10] : memref<32x10x1024xi32, #tpu.memory_space<hbm>> -> memref<1x10x1024xi32, #tpu.memory_space<hbm>>
    %dma_wait3A_12 = tpu.memref_squeeze %dma_wait3A_11 : memref<1x10x1024xi32, #tpu.memory_space<hbm>> -> memref<10x1024xi32, #tpu.memory_space<hbm>>
    %dma_wait3A_13 = arith.constant 0 : i32
    %dma_wait3A_14 = arith.constant 0 : i32
    %dma_wait3A_15 = tpu.memref_slice %arg2[%add3A, %dma_wait3A_13, %dma_wait3A_14] : memref<32x10x1024xi32, #tpu.memory_space<hbm>> -> memref<1x10x1024xi32, #tpu.memory_space<hbm>>
    %dma_wait3A_16 = tpu.memref_squeeze %dma_wait3A_15 : memref<1x10x1024xi32, #tpu.memory_space<hbm>> -> memref<10x1024xi32, #tpu.memory_space<hbm>>
    tpu.wait_dma2 semaphore(%arg8 : memref<!tpu.dma_semaphore, #tpu.memory_space<semaphore_mem>>) src(%dma_wait3A_16 : memref<10x1024xi32, #tpu.memory_space<hbm>>) dst(%arg5 : memref<10x1024xi32, #tpu.memory_space<vmem>>)
    %barrier3A = arith.constant 0 : index
    tpu.barrier barrier_id(%barrier3A)
    %scan3A = arith.constant 0 : i32
    %scan3A_17 = arith.constant 0 : i32
    %scan3A_18 = arith.constant 10 : i32
    %scan3A_19 = arith.addi %scan3A_17, %scan3A_18 : i32
    %scan3A_20 = arith.constant 1 : i32
    scf.for %scan3A_23 = %scan3A_17 to %scan3A_19 step %scan3A_20  : i32 {
      %dma_start3A_24 = arith.constant 0 : i32
      %dma_start3A_25 = tpu.memref_slice %arg5[%scan3A_23, %dma_start3A_24] : memref<10x1024xi32, #tpu.memory_space<vmem>> -> memref<1x1024xi32, #tpu.memory_space<vmem>>
      %dma_start3A_26 = tpu.memref_squeeze %dma_start3A_25 : memref<1x1024xi32, #tpu.memory_space<vmem>> -> memref<1024xi32, #tpu.memory_space<vmem>>
      %dma_start3A_27 = arith.constant 0 : i32
      %dma_start3A_28 = arith.constant 0 : i32
      %dma_start3A_29 = tpu.memref_slice %arg7[%dma_start3A_27, %dma_start3A_28] : memref<10240x1xf32, #tpu.memory_space<vmem_shared>> -> memref<10240x1xf32, #tpu.memory_space<vmem_shared>>
      tpu.enqueue_indirect_dma source(%arg6 : memref<1024x1xf32, #tpu.memory_space<vmem>>) target(%dma_start3A_29 : memref<10240x1xf32, #tpu.memory_space<vmem_shared>>) offsets(%dma_start3A_26 : memref<1024xi32, #tpu.memory_space<vmem>>) semaphore(%arg9 : memref<!tpu.dma_semaphore, #tpu.memory_space<semaphore_mem>>) {add = true}
      %dma_wait3A_30 = arith.constant 0 : i32
      %dma_wait3A_31 = tpu.memref_slice %arg5[%scan3A_23, %dma_wait3A_30] : memref<10x1024xi32, #tpu.memory_space<vmem>> -> memref<1x1024xi32, #tpu.memory_space<vmem>>
      %dma_wait3A_32 = tpu.memref_squeeze %dma_wait3A_31 : memref<1x1024xi32, #tpu.memory_space<vmem>> -> memref<1024xi32, #tpu.memory_space<vmem>>
      %dma_wait3A_33 = arith.constant 0 : i32
      %dma_wait3A_34 = arith.constant 0 : i32
      %dma_wait3A_35 = tpu.memref_slice %arg7[%dma_wait3A_33, %dma_wait3A_34] : memref<10240x1xf32, #tpu.memory_space<vmem_shared>> -> memref<10240x1xf32, #tpu.memory_space<vmem_shared>>
      tpu.wait_indirect_dma semaphore(%arg9 : memref<!tpu.dma_semaphore, #tpu.memory_space<semaphore_mem>>) src(%arg6 : memref<1024x1xf32, #tpu.memory_space<vmem>>) dst(%dma_wait3A_35 : memref<10240x1xf32, #tpu.memory_space<vmem_shared>>)
    }
    %scan3A_21 = arith.constant 10 : i32
    %barrier3A_22 = arith.constant 0 : index
    tpu.barrier barrier_id(%barrier3A_22)
    "tpu.region"() ({
      %run_scoped3A = tpu.sem_alloc : memref<!tpu.dma_semaphore, #tpu.memory_space<semaphore_mem>>
      %dma_start3A_23 = arith.constant 0 : i32
      %dma_start3A_24 = tpu.memref_slice %arg4[%arg0, %mul3A_2, %dma_start3A_23] : memref<2x10240x1xf32, #tpu.memory_space<hbm>> -> memref<1x640x1xf32, #tpu.memory_space<hbm>>
      %dma_start3A_25 = tpu.memref_squeeze %dma_start3A_24 : memref<1x640x1xf32, #tpu.memory_space<hbm>> -> memref<640x1xf32, #tpu.memory_space<hbm>>
      %dma_start3A_26 = arith.constant 0 : i32
      %dma_start3A_27 = tpu.memref_slice %arg7[%mul3A_2, %dma_start3A_26] : memref<10240x1xf32, #tpu.memory_space<vmem_shared>> -> memref<640x1xf32, #tpu.memory_space<vmem_shared>>
      tpu.enqueue_dma source(%dma_start3A_27 : memref<640x1xf32, #tpu.memory_space<vmem_shared>>) target(%dma_start3A_25 : memref<640x1xf32, #tpu.memory_space<hbm>>) target_semaphore(%run_scoped3A : memref<!tpu.dma_semaphore, #tpu.memory_space<semaphore_mem>>)
      %dma_wait3A_28 = arith.constant 0 : i32
      %dma_wait3A_29 = tpu.memref_slice %arg4[%arg0, %mul3A_2, %dma_wait3A_28] : memref<2x10240x1xf32, #tpu.memory_space<hbm>> -> memref<1x640x1xf32, #tpu.memory_space<hbm>>
      %dma_wait3A_30 = tpu.memref_squeeze %dma_wait3A_29 : memref<1x640x1xf32, #tpu.memory_space<hbm>> -> memref<640x1xf32, #tpu.memory_space<hbm>>
      %dma_wait3A_31 = arith.constant 0 : i32
      %dma_wait3A_32 = tpu.memref_slice %arg7[%mul3A_2, %dma_wait3A_31] : memref<10240x1xf32, #tpu.memory_space<vmem_shared>> -> memref<640x1xf32, #tpu.memory_space<vmem_shared>>
      tpu.wait_dma2 semaphore(%run_scoped3A : memref<!tpu.dma_semaphore, #tpu.memory_space<semaphore_mem>>) src(%dma_wait3A_32 : memref<640x1xf32, #tpu.memory_space<vmem_shared>>) dst(%dma_wait3A_30 : memref<640x1xf32, #tpu.memory_space<hbm>>)
      tpu.yield
    }) : () -> ()
    return
  }
}

#map = affine_map<(d0, d1) -> (0, 0, 0)>
#map1 = affine_map<(d0, d1) -> (0, 0)>
#map2 = affine_map<(d0, d1) -> (0)>
module attributes {stable_mosaic.version = 14 : i64} {
  func.func @_agg2_body(%arg0: i32, %arg1: i32, %arg2: memref<32x10x1024xi32, #tpu.memory_space<hbm>>, %arg3: memref<32x10x1024xi32, #tpu.memory_space<hbm>>, %arg4: memref<2x10240x16xf32, #tpu.memory_space<hbm>>, %arg5: memref<10240x16xf32, #tpu.memory_space<hbm>>, %arg6: memref<10240x16xf32, #tpu.memory_space<hbm>>, %arg7: memref<16xf32, #tpu.memory_space<hbm>>, %arg8: memref<2x10240x16xf32, #tpu.memory_space<hbm>>, %arg9: memref<10240x16xf32, #tpu.memory_space<hbm>>, %arg10: memref<10x1024xi32, #tpu.memory_space<vmem>>, %arg11: memref<10x1024xi32, #tpu.memory_space<vmem>>, %arg12: memref<2x1024x16xf32, #tpu.memory_space<vmem>>, %arg13: memref<640x16xf32, #tpu.memory_space<vmem>>, %arg14: memref<640x16xf32, #tpu.memory_space<vmem>>, %arg15: memref<640x16xf32, #tpu.memory_space<vmem>>, %arg16: memref<640x16xf32, #tpu.memory_space<vmem>>, %arg17: memref<640x16xf32, #tpu.memory_space<vmem>>, %arg18: memref<16xf32, #tpu.memory_space<vmem>>, %arg19: memref<10240x16xf32, #tpu.memory_space<vmem_shared>>, %arg20: memref<!tpu.dma_semaphore, #tpu.memory_space<semaphore_mem>>, %arg21: memref<!tpu.dma_semaphore, #tpu.memory_space<semaphore_mem>>, %arg22: memref<!tpu.dma_semaphore, #tpu.memory_space<semaphore_mem>>, %arg23: memref<!tpu.dma_semaphore, #tpu.memory_space<semaphore_mem>>) attributes {dimension_semantics = [#tpu.dimension_semantics<core_parallel>, #tpu.dimension_semantics<subcore_parallel>], iteration_bounds = array<i64: 2, 16>, scalar_prefetch = 0 : i64, scratch_operands = 14 : i64, tpu.core_type = #tpu.core_type<sc_vector_subcore>, window_params = [{transform_indices = #map}, {transform_indices = #map}, {transform_indices = #map}, {transform_indices = #map1}, {transform_indices = #map1}, {transform_indices = #map2}, {transform_indices = #map}, {transform_indices = #map1}]} {
    %mul3A = arith.constant 16 : i32
    %mul3A_0 = arith.muli %arg0, %mul3A : i32
    %add3A = arith.addi %mul3A_0, %arg1 : i32
    %mul3A_1 = arith.constant 640 : i32
    %mul3A_2 = arith.muli %arg1, %mul3A_1 : i32
    %run_scoped3A = arith.constant 0 : i32
    "tpu.region"() ({
      %run_scoped3A_46 = tpu.sem_alloc : memref<!tpu.dma_semaphore, #tpu.memory_space<semaphore_mem>>
      %dma_start3A_47 = arith.constant 0 : i32
      %dma_start3A_48 = tpu.memref_slice %arg4[%run_scoped3A, %mul3A_2, %dma_start3A_47] : memref<2x10240x16xf32, #tpu.memory_space<hbm>> -> memref<1x640x16xf32, #tpu.memory_space<hbm>>
      %dma_start3A_49 = tpu.memref_squeeze %dma_start3A_48 : memref<1x640x16xf32, #tpu.memory_space<hbm>> -> memref<640x16xf32, #tpu.memory_space<hbm>>
      %dma_start3A_50 = arith.constant 0 : i32
      %dma_start3A_51 = tpu.memref_slice %arg4[%run_scoped3A, %mul3A_2, %dma_start3A_50] : memref<2x10240x16xf32, #tpu.memory_space<hbm>> -> memref<1x640x16xf32, #tpu.memory_space<hbm>>
      %dma_start3A_52 = tpu.memref_squeeze %dma_start3A_51 : memref<1x640x16xf32, #tpu.memory_space<hbm>> -> memref<640x16xf32, #tpu.memory_space<hbm>>
      tpu.enqueue_dma source(%dma_start3A_52 : memref<640x16xf32, #tpu.memory_space<hbm>>) target(%arg13 : memref<640x16xf32, #tpu.memory_space<vmem>>) target_semaphore(%run_scoped3A_46 : memref<!tpu.dma_semaphore, #tpu.memory_space<semaphore_mem>>)
      %dma_wait3A_53 = arith.constant 0 : i32
      %dma_wait3A_54 = tpu.memref_slice %arg4[%run_scoped3A, %mul3A_2, %dma_wait3A_53] : memref<2x10240x16xf32, #tpu.memory_space<hbm>> -> memref<1x640x16xf32, #tpu.memory_space<hbm>>
      %dma_wait3A_55 = tpu.memref_squeeze %dma_wait3A_54 : memref<1x640x16xf32, #tpu.memory_space<hbm>> -> memref<640x16xf32, #tpu.memory_space<hbm>>
      %dma_wait3A_56 = arith.constant 0 : i32
      %dma_wait3A_57 = tpu.memref_slice %arg4[%run_scoped3A, %mul3A_2, %dma_wait3A_56] : memref<2x10240x16xf32, #tpu.memory_space<hbm>> -> memref<1x640x16xf32, #tpu.memory_space<hbm>>
      %dma_wait3A_58 = tpu.memref_squeeze %dma_wait3A_57 : memref<1x640x16xf32, #tpu.memory_space<hbm>> -> memref<640x16xf32, #tpu.memory_space<hbm>>
      tpu.wait_dma2 semaphore(%run_scoped3A_46 : memref<!tpu.dma_semaphore, #tpu.memory_space<semaphore_mem>>) src(%dma_wait3A_58 : memref<640x16xf32, #tpu.memory_space<hbm>>) dst(%arg13 : memref<640x16xf32, #tpu.memory_space<vmem>>)
      tpu.yield
    }) : () -> ()
    %run_scoped3A_3 = arith.constant 1 : i32
    "tpu.region"() ({
      %run_scoped3A_46 = tpu.sem_alloc : memref<!tpu.dma_semaphore, #tpu.memory_space<semaphore_mem>>
      %dma_start3A_47 = arith.constant 0 : i32
      %dma_start3A_48 = tpu.memref_slice %arg4[%run_scoped3A_3, %mul3A_2, %dma_start3A_47] : memref<2x10240x16xf32, #tpu.memory_space<hbm>> -> memref<1x640x16xf32, #tpu.memory_space<hbm>>
      %dma_start3A_49 = tpu.memref_squeeze %dma_start3A_48 : memref<1x640x16xf32, #tpu.memory_space<hbm>> -> memref<640x16xf32, #tpu.memory_space<hbm>>
      %dma_start3A_50 = arith.constant 0 : i32
      %dma_start3A_51 = tpu.memref_slice %arg4[%run_scoped3A_3, %mul3A_2, %dma_start3A_50] : memref<2x10240x16xf32, #tpu.memory_space<hbm>> -> memref<1x640x16xf32, #tpu.memory_space<hbm>>
      %dma_start3A_52 = tpu.memref_squeeze %dma_start3A_51 : memref<1x640x16xf32, #tpu.memory_space<hbm>> -> memref<640x16xf32, #tpu.memory_space<hbm>>
      tpu.enqueue_dma source(%dma_start3A_52 : memref<640x16xf32, #tpu.memory_space<hbm>>) target(%arg14 : memref<640x16xf32, #tpu.memory_space<vmem>>) target_semaphore(%run_scoped3A_46 : memref<!tpu.dma_semaphore, #tpu.memory_space<semaphore_mem>>)
      %dma_wait3A_53 = arith.constant 0 : i32
      %dma_wait3A_54 = tpu.memref_slice %arg4[%run_scoped3A_3, %mul3A_2, %dma_wait3A_53] : memref<2x10240x16xf32, #tpu.memory_space<hbm>> -> memref<1x640x16xf32, #tpu.memory_space<hbm>>
      %dma_wait3A_55 = tpu.memref_squeeze %dma_wait3A_54 : memref<1x640x16xf32, #tpu.memory_space<hbm>> -> memref<640x16xf32, #tpu.memory_space<hbm>>
      %dma_wait3A_56 = arith.constant 0 : i32
      %dma_wait3A_57 = tpu.memref_slice %arg4[%run_scoped3A_3, %mul3A_2, %dma_wait3A_56] : memref<2x10240x16xf32, #tpu.memory_space<hbm>> -> memref<1x640x16xf32, #tpu.memory_space<hbm>>
      %dma_wait3A_58 = tpu.memref_squeeze %dma_wait3A_57 : memref<1x640x16xf32, #tpu.memory_space<hbm>> -> memref<640x16xf32, #tpu.memory_space<hbm>>
      tpu.wait_dma2 semaphore(%run_scoped3A_46 : memref<!tpu.dma_semaphore, #tpu.memory_space<semaphore_mem>>) src(%dma_wait3A_58 : memref<640x16xf32, #tpu.memory_space<hbm>>) dst(%arg14 : memref<640x16xf32, #tpu.memory_space<vmem>>)
      tpu.yield
    }) : () -> ()
    "tpu.region"() ({
      %run_scoped3A_46 = tpu.sem_alloc : memref<!tpu.dma_semaphore, #tpu.memory_space<semaphore_mem>>
      %dma_start3A_47 = arith.constant 0 : i32
      %dma_start3A_48 = tpu.memref_slice %arg5[%mul3A_2, %dma_start3A_47] : memref<10240x16xf32, #tpu.memory_space<hbm>> -> memref<640x16xf32, #tpu.memory_space<hbm>>
      %dma_start3A_49 = arith.constant 0 : i32
      %dma_start3A_50 = tpu.memref_slice %arg5[%mul3A_2, %dma_start3A_49] : memref<10240x16xf32, #tpu.memory_space<hbm>> -> memref<640x16xf32, #tpu.memory_space<hbm>>
      tpu.enqueue_dma source(%dma_start3A_50 : memref<640x16xf32, #tpu.memory_space<hbm>>) target(%arg15 : memref<640x16xf32, #tpu.memory_space<vmem>>) target_semaphore(%run_scoped3A_46 : memref<!tpu.dma_semaphore, #tpu.memory_space<semaphore_mem>>)
      %dma_wait3A_51 = arith.constant 0 : i32
      %dma_wait3A_52 = tpu.memref_slice %arg5[%mul3A_2, %dma_wait3A_51] : memref<10240x16xf32, #tpu.memory_space<hbm>> -> memref<640x16xf32, #tpu.memory_space<hbm>>
      %dma_wait3A_53 = arith.constant 0 : i32
      %dma_wait3A_54 = tpu.memref_slice %arg5[%mul3A_2, %dma_wait3A_53] : memref<10240x16xf32, #tpu.memory_space<hbm>> -> memref<640x16xf32, #tpu.memory_space<hbm>>
      tpu.wait_dma2 semaphore(%run_scoped3A_46 : memref<!tpu.dma_semaphore, #tpu.memory_space<semaphore_mem>>) src(%dma_wait3A_54 : memref<640x16xf32, #tpu.memory_space<hbm>>) dst(%arg15 : memref<640x16xf32, #tpu.memory_space<vmem>>)
      tpu.yield
    }) : () -> ()
    "tpu.region"() ({
      %run_scoped3A_46 = tpu.sem_alloc : memref<!tpu.dma_semaphore, #tpu.memory_space<semaphore_mem>>
      %dma_start3A_47 = arith.constant 0 : i32
      %dma_start3A_48 = tpu.memref_slice %arg6[%mul3A_2, %dma_start3A_47] : memref<10240x16xf32, #tpu.memory_space<hbm>> -> memref<640x16xf32, #tpu.memory_space<hbm>>
      %dma_start3A_49 = arith.constant 0 : i32
      %dma_start3A_50 = tpu.memref_slice %arg6[%mul3A_2, %dma_start3A_49] : memref<10240x16xf32, #tpu.memory_space<hbm>> -> memref<640x16xf32, #tpu.memory_space<hbm>>
      tpu.enqueue_dma source(%dma_start3A_50 : memref<640x16xf32, #tpu.memory_space<hbm>>) target(%arg16 : memref<640x16xf32, #tpu.memory_space<vmem>>) target_semaphore(%run_scoped3A_46 : memref<!tpu.dma_semaphore, #tpu.memory_space<semaphore_mem>>)
      %dma_wait3A_51 = arith.constant 0 : i32
      %dma_wait3A_52 = tpu.memref_slice %arg6[%mul3A_2, %dma_wait3A_51] : memref<10240x16xf32, #tpu.memory_space<hbm>> -> memref<640x16xf32, #tpu.memory_space<hbm>>
      %dma_wait3A_53 = arith.constant 0 : i32
      %dma_wait3A_54 = tpu.memref_slice %arg6[%mul3A_2, %dma_wait3A_53] : memref<10240x16xf32, #tpu.memory_space<hbm>> -> memref<640x16xf32, #tpu.memory_space<hbm>>
      tpu.wait_dma2 semaphore(%run_scoped3A_46 : memref<!tpu.dma_semaphore, #tpu.memory_space<semaphore_mem>>) src(%dma_wait3A_54 : memref<640x16xf32, #tpu.memory_space<hbm>>) dst(%arg16 : memref<640x16xf32, #tpu.memory_space<vmem>>)
      tpu.yield
    }) : () -> ()
    "tpu.region"() ({
      %run_scoped3A_46 = tpu.sem_alloc : memref<!tpu.dma_semaphore, #tpu.memory_space<semaphore_mem>>
      tpu.enqueue_dma source(%arg7 : memref<16xf32, #tpu.memory_space<hbm>>) target(%arg18 : memref<16xf32, #tpu.memory_space<vmem>>) target_semaphore(%run_scoped3A_46 : memref<!tpu.dma_semaphore, #tpu.memory_space<semaphore_mem>>)
      tpu.wait_dma2 semaphore(%run_scoped3A_46 : memref<!tpu.dma_semaphore, #tpu.memory_space<semaphore_mem>>) src(%arg7 : memref<16xf32, #tpu.memory_space<hbm>>) dst(%arg18 : memref<16xf32, #tpu.memory_space<vmem>>)
      tpu.yield
    }) : () -> ()
    %dma_start3A = arith.constant 0 : i32
    %dma_start3A_4 = arith.constant 0 : i32
    %dma_start3A_5 = tpu.memref_slice %arg2[%add3A, %dma_start3A, %dma_start3A_4] : memref<32x10x1024xi32, #tpu.memory_space<hbm>> -> memref<1x10x1024xi32, #tpu.memory_space<hbm>>
    %dma_start3A_6 = tpu.memref_squeeze %dma_start3A_5 : memref<1x10x1024xi32, #tpu.memory_space<hbm>> -> memref<10x1024xi32, #tpu.memory_space<hbm>>
    %dma_start3A_7 = arith.constant 0 : i32
    %dma_start3A_8 = arith.constant 0 : i32
    %dma_start3A_9 = tpu.memref_slice %arg2[%add3A, %dma_start3A_7, %dma_start3A_8] : memref<32x10x1024xi32, #tpu.memory_space<hbm>> -> memref<1x10x1024xi32, #tpu.memory_space<hbm>>
    %dma_start3A_10 = tpu.memref_squeeze %dma_start3A_9 : memref<1x10x1024xi32, #tpu.memory_space<hbm>> -> memref<10x1024xi32, #tpu.memory_space<hbm>>
    tpu.enqueue_dma source(%dma_start3A_10 : memref<10x1024xi32, #tpu.memory_space<hbm>>) target(%arg10 : memref<10x1024xi32, #tpu.memory_space<vmem>>) target_semaphore(%arg20 : memref<!tpu.dma_semaphore, #tpu.memory_space<semaphore_mem>>)
    %dma_wait3A = arith.constant 0 : i32
    %dma_wait3A_11 = arith.constant 0 : i32
    %dma_wait3A_12 = tpu.memref_slice %arg2[%add3A, %dma_wait3A, %dma_wait3A_11] : memref<32x10x1024xi32, #tpu.memory_space<hbm>> -> memref<1x10x1024xi32, #tpu.memory_space<hbm>>
    %dma_wait3A_13 = tpu.memref_squeeze %dma_wait3A_12 : memref<1x10x1024xi32, #tpu.memory_space<hbm>> -> memref<10x1024xi32, #tpu.memory_space<hbm>>
    %dma_wait3A_14 = arith.constant 0 : i32
    %dma_wait3A_15 = arith.constant 0 : i32
    %dma_wait3A_16 = tpu.memref_slice %arg2[%add3A, %dma_wait3A_14, %dma_wait3A_15] : memref<32x10x1024xi32, #tpu.memory_space<hbm>> -> memref<1x10x1024xi32, #tpu.memory_space<hbm>>
    %dma_wait3A_17 = tpu.memref_squeeze %dma_wait3A_16 : memref<1x10x1024xi32, #tpu.memory_space<hbm>> -> memref<10x1024xi32, #tpu.memory_space<hbm>>
    tpu.wait_dma2 semaphore(%arg20 : memref<!tpu.dma_semaphore, #tpu.memory_space<semaphore_mem>>) src(%dma_wait3A_17 : memref<10x1024xi32, #tpu.memory_space<hbm>>) dst(%arg10 : memref<10x1024xi32, #tpu.memory_space<vmem>>)
    %dma_start3A_18 = arith.constant 0 : i32
    %dma_start3A_19 = arith.constant 0 : i32
    %dma_start3A_20 = tpu.memref_slice %arg3[%add3A, %dma_start3A_18, %dma_start3A_19] : memref<32x10x1024xi32, #tpu.memory_space<hbm>> -> memref<1x10x1024xi32, #tpu.memory_space<hbm>>
    %dma_start3A_21 = tpu.memref_squeeze %dma_start3A_20 : memref<1x10x1024xi32, #tpu.memory_space<hbm>> -> memref<10x1024xi32, #tpu.memory_space<hbm>>
    %dma_start3A_22 = arith.constant 0 : i32
    %dma_start3A_23 = arith.constant 0 : i32
    %dma_start3A_24 = tpu.memref_slice %arg3[%add3A, %dma_start3A_22, %dma_start3A_23] : memref<32x10x1024xi32, #tpu.memory_space<hbm>> -> memref<1x10x1024xi32, #tpu.memory_space<hbm>>
    %dma_start3A_25 = tpu.memref_squeeze %dma_start3A_24 : memref<1x10x1024xi32, #tpu.memory_space<hbm>> -> memref<10x1024xi32, #tpu.memory_space<hbm>>
    tpu.enqueue_dma source(%dma_start3A_25 : memref<10x1024xi32, #tpu.memory_space<hbm>>) target(%arg11 : memref<10x1024xi32, #tpu.memory_space<vmem>>) target_semaphore(%arg20 : memref<!tpu.dma_semaphore, #tpu.memory_space<semaphore_mem>>)
    %dma_wait3A_26 = arith.constant 0 : i32
    %dma_wait3A_27 = arith.constant 0 : i32
    %dma_wait3A_28 = tpu.memref_slice %arg3[%add3A, %dma_wait3A_26, %dma_wait3A_27] : memref<32x10x1024xi32, #tpu.memory_space<hbm>> -> memref<1x10x1024xi32, #tpu.memory_space<hbm>>
    %dma_wait3A_29 = tpu.memref_squeeze %dma_wait3A_28 : memref<1x10x1024xi32, #tpu.memory_space<hbm>> -> memref<10x1024xi32, #tpu.memory_space<hbm>>
    %dma_wait3A_30 = arith.constant 0 : i32
    %dma_wait3A_31 = arith.constant 0 : i32
    %dma_wait3A_32 = tpu.memref_slice %arg3[%add3A, %dma_wait3A_30, %dma_wait3A_31] : memref<32x10x1024xi32, #tpu.memory_space<hbm>> -> memref<1x10x1024xi32, #tpu.memory_space<hbm>>
    %dma_wait3A_33 = tpu.memref_squeeze %dma_wait3A_32 : memref<1x10x1024xi32, #tpu.memory_space<hbm>> -> memref<10x1024xi32, #tpu.memory_space<hbm>>
    tpu.wait_dma2 semaphore(%arg20 : memref<!tpu.dma_semaphore, #tpu.memory_space<semaphore_mem>>) src(%dma_wait3A_33 : memref<10x1024xi32, #tpu.memory_space<hbm>>) dst(%arg11 : memref<10x1024xi32, #tpu.memory_space<vmem>>)
    %scan3A = arith.constant 0 : i32
    %scan3A_34 = arith.constant 0 : i32
    %scan3A_35 = arith.constant 640 : i32
    %scan3A_36 = arith.addi %scan3A_34, %scan3A_35 : i32
    %scan3A_37 = arith.constant 1 : i32
    scf.for %scan3A_46 = %scan3A_34 to %scan3A_36 step %scan3A_37  : i32 {
      %get3A = arith.index_cast %scan3A_46 : i32 to index
      %get3A_47 = arith.constant 0 : index
      %get3A_48 = tpu.vector_load %arg16[%get3A, %get3A_47] {strides = array<i32>} : memref<640x16xf32, #tpu.memory_space<vmem>>, vector<1x16xf32>,
      %get3A_49 = vector.shape_cast %get3A_48 : vector<1x16xf32> to vector<16xf32>
      %get3A_50 = arith.index_cast %scan3A_46 : i32 to index
      %get3A_51 = arith.constant 0 : index
      %get3A_52 = tpu.vector_load %arg13[%get3A_50, %get3A_51] {strides = array<i32>} : memref<640x16xf32, #tpu.memory_space<vmem>>, vector<1x16xf32>,
      %get3A_53 = vector.shape_cast %get3A_52 : vector<1x16xf32> to vector<16xf32>
      %get3A_54 = arith.index_cast %scan3A_46 : i32 to index
      %get3A_55 = arith.constant 0 : index
      %get3A_56 = tpu.vector_load %arg14[%get3A_54, %get3A_55] {strides = array<i32>} : memref<640x16xf32, #tpu.memory_space<vmem>>, vector<1x16xf32>,
      %get3A_57 = vector.shape_cast %get3A_56 : vector<1x16xf32> to vector<16xf32>
      %add3A_58 = arith.addf %get3A_53, %get3A_57 : vector<16xf32>
      %get3A_59 = arith.index_cast %scan3A_46 : i32 to index
      %get3A_60 = arith.constant 0 : index
      %get3A_61 = tpu.vector_load %arg15[%get3A_59, %get3A_60] {strides = array<i32>} : memref<640x16xf32, #tpu.memory_space<vmem>>, vector<1x16xf32>,
      %get3A_62 = vector.shape_cast %get3A_61 : vector<1x16xf32> to vector<16xf32>
      %sub3A = arith.subf %add3A_58, %get3A_62 : vector<16xf32>
      %mul3A_63 = arith.mulf %get3A_49, %sub3A : vector<16xf32>
      %get3A_64 = arith.constant 0 : index
      %get3A_65 = tpu.vector_load %arg18[%get3A_64] {strides = array<i32>} : memref<16xf32, #tpu.memory_space<vmem>>, vector<16xf32>,
      %get3A_66 = vector.shape_cast %get3A_65 : vector<16xf32> to vector<16xf32>
      %add3A_67 = arith.addf %mul3A_63, %get3A_66 : vector<16xf32>
      %max3A = arith.constant 0.000000e+00 : f32
      %max3A_68 = vector.broadcast %max3A : f32 to vector<16xf32>
      %max3A_69 = arith.maximumf %add3A_67, %max3A_68 : vector<16xf32>
      %get3A_70 = arith.index_cast %scan3A_46 : i32 to index
      %get3A_71 = arith.constant 0 : index
      %get3A_72 = tpu.vector_load %arg16[%get3A_70, %get3A_71] {strides = array<i32>} : memref<640x16xf32, #tpu.memory_space<vmem>>, vector<1x16xf32>,
      %get3A_73 = vector.shape_cast %get3A_72 : vector<1x16xf32> to vector<16xf32>
      %mul3A_74 = arith.mulf %max3A_69, %get3A_73 : vector<16xf32>
      %swap3A = arith.index_cast %scan3A_46 : i32 to index
      %swap3A_75 = arith.constant 0 : index
      %swap3A_76 = tpu.vector_load %arg17[%swap3A, %swap3A_75] {strides = array<i32>} : memref<640x16xf32, #tpu.memory_space<vmem>>, vector<1x16xf32>,
      %swap3A_77 = vector.shape_cast %swap3A_76 : vector<1x16xf32> to vector<16xf32>
      %swap3A_78 = vector.shape_cast %mul3A_74 : vector<16xf32> to vector<1x16xf32>
      tpu.vector_store %arg17[%swap3A, %swap3A_75], %swap3A_78 {strides = array<i32>} : memref<640x16xf32, #tpu.memory_space<vmem>>, vector<1x16xf32>,
    }
    %scan3A_38 = arith.constant 640 : i32
    "tpu.region"() ({
      %run_scoped3A_46 = tpu.sem_alloc : memref<!tpu.dma_semaphore, #tpu.memory_space<semaphore_mem>>
      %dma_start3A_47 = arith.constant 0 : i32
      %dma_start3A_48 = tpu.memref_slice %arg9[%mul3A_2, %dma_start3A_47] : memref<10240x16xf32, #tpu.memory_space<hbm>> -> memref<640x16xf32, #tpu.memory_space<hbm>>
      %dma_start3A_49 = arith.constant 0 : i32
      %dma_start3A_50 = tpu.memref_slice %arg9[%mul3A_2, %dma_start3A_49] : memref<10240x16xf32, #tpu.memory_space<hbm>> -> memref<640x16xf32, #tpu.memory_space<hbm>>
      tpu.enqueue_dma source(%arg17 : memref<640x16xf32, #tpu.memory_space<vmem>>) target(%dma_start3A_50 : memref<640x16xf32, #tpu.memory_space<hbm>>) target_semaphore(%run_scoped3A_46 : memref<!tpu.dma_semaphore, #tpu.memory_space<semaphore_mem>>)
      %dma_wait3A_51 = arith.constant 0 : i32
      %dma_wait3A_52 = tpu.memref_slice %arg9[%mul3A_2, %dma_wait3A_51] : memref<10240x16xf32, #tpu.memory_space<hbm>> -> memref<640x16xf32, #tpu.memory_space<hbm>>
      %dma_wait3A_53 = arith.constant 0 : i32
      %dma_wait3A_54 = tpu.memref_slice %arg9[%mul3A_2, %dma_wait3A_53] : memref<10240x16xf32, #tpu.memory_space<hbm>> -> memref<640x16xf32, #tpu.memory_space<hbm>>
      tpu.wait_dma2 semaphore(%run_scoped3A_46 : memref<!tpu.dma_semaphore, #tpu.memory_space<semaphore_mem>>) src(%arg17 : memref<640x16xf32, #tpu.memory_space<vmem>>) dst(%dma_wait3A_54 : memref<640x16xf32, #tpu.memory_space<hbm>>)
      tpu.yield
    }) : () -> ()
    "tpu.region"() ({
      %run_scoped3A_46 = tpu.sem_alloc : memref<!tpu.dma_semaphore, #tpu.memory_space<semaphore_mem>>
      %dma_start3A_47 = arith.constant 0 : i32
      %dma_start3A_48 = tpu.memref_slice %arg19[%mul3A_2, %dma_start3A_47] : memref<10240x16xf32, #tpu.memory_space<vmem_shared>> -> memref<640x16xf32, #tpu.memory_space<vmem_shared>>
      %dma_start3A_49 = arith.constant 0 : i32
      %dma_start3A_50 = tpu.memref_slice %arg19[%mul3A_2, %dma_start3A_49] : memref<10240x16xf32, #tpu.memory_space<vmem_shared>> -> memref<640x16xf32, #tpu.memory_space<vmem_shared>>
      tpu.enqueue_dma source(%arg17 : memref<640x16xf32, #tpu.memory_space<vmem>>) target(%dma_start3A_50 : memref<640x16xf32, #tpu.memory_space<vmem_shared>>) target_semaphore(%run_scoped3A_46 : memref<!tpu.dma_semaphore, #tpu.memory_space<semaphore_mem>>)
      %dma_wait3A_51 = arith.constant 0 : i32
      %dma_wait3A_52 = tpu.memref_slice %arg19[%mul3A_2, %dma_wait3A_51] : memref<10240x16xf32, #tpu.memory_space<vmem_shared>> -> memref<640x16xf32, #tpu.memory_space<vmem_shared>>
      %dma_wait3A_53 = arith.constant 0 : i32
      %dma_wait3A_54 = tpu.memref_slice %arg19[%mul3A_2, %dma_wait3A_53] : memref<10240x16xf32, #tpu.memory_space<vmem_shared>> -> memref<640x16xf32, #tpu.memory_space<vmem_shared>>
      tpu.wait_dma2 semaphore(%run_scoped3A_46 : memref<!tpu.dma_semaphore, #tpu.memory_space<semaphore_mem>>) src(%arg17 : memref<640x16xf32, #tpu.memory_space<vmem>>) dst(%dma_wait3A_54 : memref<640x16xf32, #tpu.memory_space<vmem_shared>>)
      tpu.yield
    }) : () -> ()
    %barrier3A = arith.constant 0 : index
    tpu.barrier barrier_id(%barrier3A)
    %scan3A_39 = arith.constant 0 : i32
    %scan3A_40 = arith.constant 0 : i32
    %scan3A_41 = arith.constant 5 : i32
    %scan3A_42 = arith.addi %scan3A_40, %scan3A_41 : i32
    %scan3A_43 = arith.constant 1 : i32
    scf.for %scan3A_46 = %scan3A_40 to %scan3A_42 step %scan3A_43  : i32 {
      %mul3A_47 = arith.constant 2 : i32
      %mul3A_48 = arith.muli %scan3A_46, %mul3A_47 : i32
      %add3A_49 = arith.constant 0 : i32
      %add3A_50 = arith.addi %mul3A_48, %add3A_49 : i32
      %dma_start3A_51 = arith.constant 0 : i32
      %dma_start3A_52 = arith.constant 0 : i32
      %dma_start3A_53 = arith.constant 0 : i32
      %dma_start3A_54 = tpu.memref_slice %arg12[%dma_start3A_51, %dma_start3A_52, %dma_start3A_53] : memref<2x1024x16xf32, #tpu.memory_space<vmem>> -> memref<1x1024x16xf32, #tpu.memory_space<vmem>>
      %dma_start3A_55 = tpu.memref_squeeze %dma_start3A_54 : memref<1x1024x16xf32, #tpu.memory_space<vmem>> -> memref<1024x16xf32, #tpu.memory_space<vmem>>
      %dma_start3A_56 = arith.constant 0 : i32
      %dma_start3A_57 = tpu.memref_slice %arg10[%add3A_50, %dma_start3A_56] : memref<10x1024xi32, #tpu.memory_space<vmem>> -> memref<1x1024xi32, #tpu.memory_space<vmem>>
      %dma_start3A_58 = tpu.memref_squeeze %dma_start3A_57 : memref<1x1024xi32, #tpu.memory_space<vmem>> -> memref<1024xi32, #tpu.memory_space<vmem>>
      %dma_start3A_59 = arith.constant 0 : i32
      %dma_start3A_60 = arith.constant 0 : i32
      %dma_start3A_61 = tpu.memref_slice %arg9[%dma_start3A_59, %dma_start3A_60] : memref<10240x16xf32, #tpu.memory_space<hbm>> -> memref<10240x16xf32, #tpu.memory_space<hbm>>
      tpu.enqueue_indirect_dma source(%dma_start3A_61 : memref<10240x16xf32, #tpu.memory_space<hbm>>) target(%dma_start3A_55 : memref<1024x16xf32, #tpu.memory_space<vmem>>) offsets(%dma_start3A_58 : memref<1024xi32, #tpu.memory_space<vmem>>) semaphore(%arg21 : memref<!tpu.dma_semaphore, #tpu.memory_space<semaphore_mem>>)
      %add3A_62 = arith.constant 1 : i32
      %add3A_63 = arith.addi %mul3A_48, %add3A_62 : i32
      %dma_start3A_64 = arith.constant 1 : i32
      %dma_start3A_65 = arith.constant 0 : i32
      %dma_start3A_66 = arith.constant 0 : i32
      %dma_start3A_67 = tpu.memref_slice %arg12[%dma_start3A_64, %dma_start3A_65, %dma_start3A_66] : memref<2x1024x16xf32, #tpu.memory_space<vmem>> -> memref<1x1024x16xf32, #tpu.memory_space<vmem>>
      %dma_start3A_68 = tpu.memref_squeeze %dma_start3A_67 : memref<1x1024x16xf32, #tpu.memory_space<vmem>> -> memref<1024x16xf32, #tpu.memory_space<vmem>>
      %dma_start3A_69 = arith.constant 0 : i32
      %dma_start3A_70 = tpu.memref_slice %arg10[%add3A_63, %dma_start3A_69] : memref<10x1024xi32, #tpu.memory_space<vmem>> -> memref<1x1024xi32, #tpu.memory_space<vmem>>
      %dma_start3A_71 = tpu.memref_squeeze %dma_start3A_70 : memref<1x1024xi32, #tpu.memory_space<vmem>> -> memref<1024xi32, #tpu.memory_space<vmem>>
      %dma_start3A_72 = arith.constant 0 : i32
      %dma_start3A_73 = arith.constant 0 : i32
      %dma_start3A_74 = tpu.memref_slice %arg9[%dma_start3A_72, %dma_start3A_73] : memref<10240x16xf32, #tpu.memory_space<hbm>> -> memref<10240x16xf32, #tpu.memory_space<hbm>>
      tpu.enqueue_indirect_dma source(%dma_start3A_74 : memref<10240x16xf32, #tpu.memory_space<hbm>>) target(%dma_start3A_68 : memref<1024x16xf32, #tpu.memory_space<vmem>>) offsets(%dma_start3A_71 : memref<1024xi32, #tpu.memory_space<vmem>>) semaphore(%arg22 : memref<!tpu.dma_semaphore, #tpu.memory_space<semaphore_mem>>)
      %dma_wait3A_75 = arith.constant 0 : i32
      %dma_wait3A_76 = arith.constant 0 : i32
      %dma_wait3A_77 = arith.constant 0 : i32
      %dma_wait3A_78 = tpu.memref_slice %arg12[%dma_wait3A_75, %dma_wait3A_76, %dma_wait3A_77] : memref<2x1024x16xf32, #tpu.memory_space<vmem>> -> memref<1x1024x16xf32, #tpu.memory_space<vmem>>
      %dma_wait3A_79 = tpu.memref_squeeze %dma_wait3A_78 : memref<1x1024x16xf32, #tpu.memory_space<vmem>> -> memref<1024x16xf32, #tpu.memory_space<vmem>>
      %dma_wait3A_80 = arith.constant 0 : i32
      %dma_wait3A_81 = tpu.memref_slice %arg10[%add3A_50, %dma_wait3A_80] : memref<10x1024xi32, #tpu.memory_space<vmem>> -> memref<1x1024xi32, #tpu.memory_space<vmem>>
      %dma_wait3A_82 = tpu.memref_squeeze %dma_wait3A_81 : memref<1x1024xi32, #tpu.memory_space<vmem>> -> memref<1024xi32, #tpu.memory_space<vmem>>
      %dma_wait3A_83 = arith.constant 0 : i32
      %dma_wait3A_84 = arith.constant 0 : i32
      %dma_wait3A_85 = tpu.memref_slice %arg9[%dma_wait3A_83, %dma_wait3A_84] : memref<10240x16xf32, #tpu.memory_space<hbm>> -> memref<10240x16xf32, #tpu.memory_space<hbm>>
      tpu.wait_indirect_dma semaphore(%arg21 : memref<!tpu.dma_semaphore, #tpu.memory_space<semaphore_mem>>) src(%dma_wait3A_85 : memref<10240x16xf32, #tpu.memory_space<hbm>>) dst(%dma_wait3A_79 : memref<1024x16xf32, #tpu.memory_space<vmem>>)
      %add3A_86 = arith.constant 0 : i32
      %add3A_87 = arith.addi %mul3A_48, %add3A_86 : i32
      %dma_start3A_88 = arith.constant 0 : i32
      %dma_start3A_89 = arith.constant 0 : i32
      %dma_start3A_90 = arith.constant 0 : i32
      %dma_start3A_91 = tpu.memref_slice %arg12[%dma_start3A_88, %dma_start3A_89, %dma_start3A_90] : memref<2x1024x16xf32, #tpu.memory_space<vmem>> -> memref<1x1024x16xf32, #tpu.memory_space<vmem>>
      %dma_start3A_92 = tpu.memref_squeeze %dma_start3A_91 : memref<1x1024x16xf32, #tpu.memory_space<vmem>> -> memref<1024x16xf32, #tpu.memory_space<vmem>>
      %dma_start3A_93 = arith.constant 0 : i32
      %dma_start3A_94 = tpu.memref_slice %arg11[%add3A_87, %dma_start3A_93] : memref<10x1024xi32, #tpu.memory_space<vmem>> -> memref<1x1024xi32, #tpu.memory_space<vmem>>
      %dma_start3A_95 = tpu.memref_squeeze %dma_start3A_94 : memref<1x1024xi32, #tpu.memory_space<vmem>> -> memref<1024xi32, #tpu.memory_space<vmem>>
      %dma_start3A_96 = arith.constant 0 : i32
      %dma_start3A_97 = arith.constant 0 : i32
      %dma_start3A_98 = tpu.memref_slice %arg19[%dma_start3A_96, %dma_start3A_97] : memref<10240x16xf32, #tpu.memory_space<vmem_shared>> -> memref<10240x16xf32, #tpu.memory_space<vmem_shared>>
      tpu.enqueue_indirect_dma source(%dma_start3A_92 : memref<1024x16xf32, #tpu.memory_space<vmem>>) target(%dma_start3A_98 : memref<10240x16xf32, #tpu.memory_space<vmem_shared>>) offsets(%dma_start3A_95 : memref<1024xi32, #tpu.memory_space<vmem>>) semaphore(%arg23 : memref<!tpu.dma_semaphore, #tpu.memory_space<semaphore_mem>>) {add = true}
      %dma_wait3A_99 = arith.constant 0 : i32
      %dma_wait3A_100 = arith.constant 0 : i32
      %dma_wait3A_101 = arith.constant 0 : i32
      %dma_wait3A_102 = tpu.memref_slice %arg12[%dma_wait3A_99, %dma_wait3A_100, %dma_wait3A_101] : memref<2x1024x16xf32, #tpu.memory_space<vmem>> -> memref<1x1024x16xf32, #tpu.memory_space<vmem>>
      %dma_wait3A_103 = tpu.memref_squeeze %dma_wait3A_102 : memref<1x1024x16xf32, #tpu.memory_space<vmem>> -> memref<1024x16xf32, #tpu.memory_space<vmem>>
      %dma_wait3A_104 = arith.constant 0 : i32
      %dma_wait3A_105 = tpu.memref_slice %arg11[%add3A_87, %dma_wait3A_104] : memref<10x1024xi32, #tpu.memory_space<vmem>> -> memref<1x1024xi32, #tpu.memory_space<vmem>>
      %dma_wait3A_106 = tpu.memref_squeeze %dma_wait3A_105 : memref<1x1024xi32, #tpu.memory_space<vmem>> -> memref<1024xi32, #tpu.memory_space<vmem>>
      %dma_wait3A_107 = arith.constant 0 : i32
      %dma_wait3A_108 = arith.constant 0 : i32
      %dma_wait3A_109 = tpu.memref_slice %arg19[%dma_wait3A_107, %dma_wait3A_108] : memref<10240x16xf32, #tpu.memory_space<vmem_shared>> -> memref<10240x16xf32, #tpu.memory_space<vmem_shared>>
      tpu.wait_indirect_dma semaphore(%arg23 : memref<!tpu.dma_semaphore, #tpu.memory_space<semaphore_mem>>) src(%dma_wait3A_103 : memref<1024x16xf32, #tpu.memory_space<vmem>>) dst(%dma_wait3A_109 : memref<10240x16xf32, #tpu.memory_space<vmem_shared>>)
      %dma_wait3A_110 = arith.constant 1 : i32
      %dma_wait3A_111 = arith.constant 0 : i32
      %dma_wait3A_112 = arith.constant 0 : i32
      %dma_wait3A_113 = tpu.memref_slice %arg12[%dma_wait3A_110, %dma_wait3A_111, %dma_wait3A_112] : memref<2x1024x16xf32, #tpu.memory_space<vmem>> -> memref<1x1024x16xf32, #tpu.memory_space<vmem>>
      %dma_wait3A_114 = tpu.memref_squeeze %dma_wait3A_113 : memref<1x1024x16xf32, #tpu.memory_space<vmem>> -> memref<1024x16xf32, #tpu.memory_space<vmem>>
      %dma_wait3A_115 = arith.constant 0 : i32
      %dma_wait3A_116 = tpu.memref_slice %arg10[%add3A_63, %dma_wait3A_115] : memref<10x1024xi32, #tpu.memory_space<vmem>> -> memref<1x1024xi32, #tpu.memory_space<vmem>>
      %dma_wait3A_117 = tpu.memref_squeeze %dma_wait3A_116 : memref<1x1024xi32, #tpu.memory_space<vmem>> -> memref<1024xi32, #tpu.memory_space<vmem>>
      %dma_wait3A_118 = arith.constant 0 : i32
      %dma_wait3A_119 = arith.constant 0 : i32
      %dma_wait3A_120 = tpu.memref_slice %arg9[%dma_wait3A_118, %dma_wait3A_119] : memref<10240x16xf32, #tpu.memory_space<hbm>> -> memref<10240x16xf32, #tpu.memory_space<hbm>>
      tpu.wait_indirect_dma semaphore(%arg22 : memref<!tpu.dma_semaphore, #tpu.memory_space<semaphore_mem>>) src(%dma_wait3A_120 : memref<10240x16xf32, #tpu.memory_space<hbm>>) dst(%dma_wait3A_114 : memref<1024x16xf32, #tpu.memory_space<vmem>>)
      %add3A_121 = arith.constant 1 : i32
      %add3A_122 = arith.addi %mul3A_48, %add3A_121 : i32
      %dma_start3A_123 = arith.constant 1 : i32
      %dma_start3A_124 = arith.constant 0 : i32
      %dma_start3A_125 = arith.constant 0 : i32
      %dma_start3A_126 = tpu.memref_slice %arg12[%dma_start3A_123, %dma_start3A_124, %dma_start3A_125] : memref<2x1024x16xf32, #tpu.memory_space<vmem>> -> memref<1x1024x16xf32, #tpu.memory_space<vmem>>
      %dma_start3A_127 = tpu.memref_squeeze %dma_start3A_126 : memref<1x1024x16xf32, #tpu.memory_space<vmem>> -> memref<1024x16xf32, #tpu.memory_space<vmem>>
      %dma_start3A_128 = arith.constant 0 : i32
      %dma_start3A_129 = tpu.memref_slice %arg11[%add3A_122, %dma_start3A_128] : memref<10x1024xi32, #tpu.memory_space<vmem>> -> memref<1x1024xi32, #tpu.memory_space<vmem>>
      %dma_start3A_130 = tpu.memref_squeeze %dma_start3A_129 : memref<1x1024xi32, #tpu.memory_space<vmem>> -> memref<1024xi32, #tpu.memory_space<vmem>>
      %dma_start3A_131 = arith.constant 0 : i32
      %dma_start3A_132 = arith.constant 0 : i32
      %dma_start3A_133 = tpu.memref_slice %arg19[%dma_start3A_131, %dma_start3A_132] : memref<10240x16xf32, #tpu.memory_space<vmem_shared>> -> memref<10240x16xf32, #tpu.memory_space<vmem_shared>>
      tpu.enqueue_indirect_dma source(%dma_start3A_127 : memref<1024x16xf32, #tpu.memory_space<vmem>>) target(%dma_start3A_133 : memref<10240x16xf32, #tpu.memory_space<vmem_shared>>) offsets(%dma_start3A_130 : memref<1024xi32, #tpu.memory_space<vmem>>) semaphore(%arg23 : memref<!tpu.dma_semaphore, #tpu.memory_space<semaphore_mem>>) {add = true}
      %dma_wait3A_134 = arith.constant 1 : i32
      %dma_wait3A_135 = arith.constant 0 : i32
      %dma_wait3A_136 = arith.constant 0 : i32
      %dma_wait3A_137 = tpu.memref_slice %arg12[%dma_wait3A_134, %dma_wait3A_135, %dma_wait3A_136] : memref<2x1024x16xf32, #tpu.memory_space<vmem>> -> memref<1x1024x16xf32, #tpu.memory_space<vmem>>
      %dma_wait3A_138 = tpu.memref_squeeze %dma_wait3A_137 : memref<1x1024x16xf32, #tpu.memory_space<vmem>> -> memref<1024x16xf32, #tpu.memory_space<vmem>>
      %dma_wait3A_139 = arith.constant 0 : i32
      %dma_wait3A_140 = tpu.memref_slice %arg11[%add3A_122, %dma_wait3A_139] : memref<10x1024xi32, #tpu.memory_space<vmem>> -> memref<1x1024xi32, #tpu.memory_space<vmem>>
      %dma_wait3A_141 = tpu.memref_squeeze %dma_wait3A_140 : memref<1x1024xi32, #tpu.memory_space<vmem>> -> memref<1024xi32, #tpu.memory_space<vmem>>
      %dma_wait3A_142 = arith.constant 0 : i32
      %dma_wait3A_143 = arith.constant 0 : i32
      %dma_wait3A_144 = tpu.memref_slice %arg19[%dma_wait3A_142, %dma_wait3A_143] : memref<10240x16xf32, #tpu.memory_space<vmem_shared>> -> memref<10240x16xf32, #tpu.memory_space<vmem_shared>>
      tpu.wait_indirect_dma semaphore(%arg23 : memref<!tpu.dma_semaphore, #tpu.memory_space<semaphore_mem>>) src(%dma_wait3A_138 : memref<1024x16xf32, #tpu.memory_space<vmem>>) dst(%dma_wait3A_144 : memref<10240x16xf32, #tpu.memory_space<vmem_shared>>)
    }
    %scan3A_44 = arith.constant 5 : i32
    %barrier3A_45 = arith.constant 0 : index
    tpu.barrier barrier_id(%barrier3A_45)
    "tpu.region"() ({
      %run_scoped3A_46 = tpu.sem_alloc : memref<!tpu.dma_semaphore, #tpu.memory_space<semaphore_mem>>
      %dma_start3A_47 = arith.constant 0 : i32
      %dma_start3A_48 = tpu.memref_slice %arg8[%arg0, %mul3A_2, %dma_start3A_47] : memref<2x10240x16xf32, #tpu.memory_space<hbm>> -> memref<1x640x16xf32, #tpu.memory_space<hbm>>
      %dma_start3A_49 = tpu.memref_squeeze %dma_start3A_48 : memref<1x640x16xf32, #tpu.memory_space<hbm>> -> memref<640x16xf32, #tpu.memory_space<hbm>>
      %dma_start3A_50 = arith.constant 0 : i32
      %dma_start3A_51 = tpu.memref_slice %arg19[%mul3A_2, %dma_start3A_50] : memref<10240x16xf32, #tpu.memory_space<vmem_shared>> -> memref<640x16xf32, #tpu.memory_space<vmem_shared>>
      tpu.enqueue_dma source(%dma_start3A_51 : memref<640x16xf32, #tpu.memory_space<vmem_shared>>) target(%dma_start3A_49 : memref<640x16xf32, #tpu.memory_space<hbm>>) target_semaphore(%run_scoped3A_46 : memref<!tpu.dma_semaphore, #tpu.memory_space<semaphore_mem>>)
      %dma_wait3A_52 = arith.constant 0 : i32
      %dma_wait3A_53 = tpu.memref_slice %arg8[%arg0, %mul3A_2, %dma_wait3A_52] : memref<2x10240x16xf32, #tpu.memory_space<hbm>> -> memref<1x640x16xf32, #tpu.memory_space<hbm>>
      %dma_wait3A_54 = tpu.memref_squeeze %dma_wait3A_53 : memref<1x640x16xf32, #tpu.memory_space<hbm>> -> memref<640x16xf32, #tpu.memory_space<hbm>>
      %dma_wait3A_55 = arith.constant 0 : i32
      %dma_wait3A_56 = tpu.memref_slice %arg19[%mul3A_2, %dma_wait3A_55] : memref<10240x16xf32, #tpu.memory_space<vmem_shared>> -> memref<640x16xf32, #tpu.memory_space<vmem_shared>>
      tpu.wait_dma2 semaphore(%run_scoped3A_46 : memref<!tpu.dma_semaphore, #tpu.memory_space<semaphore_mem>>) src(%dma_wait3A_56 : memref<640x16xf32, #tpu.memory_space<vmem_shared>>) dst(%dma_wait3A_54 : memref<640x16xf32, #tpu.memory_space<hbm>>)
      tpu.yield
    }) : () -> ()
    return
  }
}

#map = affine_map<(d0, d1) -> (0, 0, 0)>
#map1 = affine_map<(d0, d1) -> (0, 0)>
module attributes {stable_mosaic.version = 14 : i64} {
  func.func @_agg_body(%arg0: i32, %arg1: i32, %arg2: memref<32x10x1024xi32, #tpu.memory_space<hbm>>, %arg3: memref<32x10x1024xi32, #tpu.memory_space<hbm>>, %arg4: memref<10240x16xf32, #tpu.memory_space<hbm>>, %arg5: memref<2x10240x16xf32, #tpu.memory_space<hbm>>, %arg6: memref<10x1024xi32, #tpu.memory_space<vmem>>, %arg7: memref<10x1024xi32, #tpu.memory_space<vmem>>, %arg8: memref<2x1024x16xf32, #tpu.memory_space<vmem>>, %arg9: memref<10240x16xf32, #tpu.memory_space<vmem_shared>>, %arg10: memref<!tpu.dma_semaphore, #tpu.memory_space<semaphore_mem>>, %arg11: memref<!tpu.dma_semaphore, #tpu.memory_space<semaphore_mem>>, %arg12: memref<!tpu.dma_semaphore, #tpu.memory_space<semaphore_mem>>, %arg13: memref<!tpu.dma_semaphore, #tpu.memory_space<semaphore_mem>>) attributes {dimension_semantics = [#tpu.dimension_semantics<core_parallel>, #tpu.dimension_semantics<subcore_parallel>], iteration_bounds = array<i64: 2, 16>, scalar_prefetch = 0 : i64, scratch_operands = 8 : i64, tpu.core_type = #tpu.core_type<sc_vector_subcore>, window_params = [{transform_indices = #map}, {transform_indices = #map}, {transform_indices = #map1}, {transform_indices = #map}]} {
    %mul3A = arith.constant 16 : i32
    %mul3A_0 = arith.muli %arg0, %mul3A : i32
    %add3A = arith.addi %mul3A_0, %arg1 : i32
    %mul3A_1 = arith.constant 640 : i32
    %mul3A_2 = arith.muli %arg1, %mul3A_1 : i32
    "tpu.region"() ({
      %run_scoped3A = tpu.sem_alloc : memref<!tpu.dma_semaphore, #tpu.memory_space<semaphore_mem>>
      %dma_start3A_39 = arith.constant 0 : i32
      %dma_start3A_40 = tpu.memref_slice %arg9[%mul3A_2, %dma_start3A_39] : memref<10240x16xf32, #tpu.memory_space<vmem_shared>> -> memref<640x16xf32, #tpu.memory_space<vmem_shared>>
      %dma_start3A_41 = arith.constant 0 : i32
      %dma_start3A_42 = tpu.memref_slice %arg4[%mul3A_2, %dma_start3A_41] : memref<10240x16xf32, #tpu.memory_space<hbm>> -> memref<640x16xf32, #tpu.memory_space<hbm>>
      tpu.enqueue_dma source(%dma_start3A_42 : memref<640x16xf32, #tpu.memory_space<hbm>>) target(%dma_start3A_40 : memref<640x16xf32, #tpu.memory_space<vmem_shared>>) target_semaphore(%run_scoped3A : memref<!tpu.dma_semaphore, #tpu.memory_space<semaphore_mem>>)
      %dma_wait3A_43 = arith.constant 0 : i32
      %dma_wait3A_44 = tpu.memref_slice %arg9[%mul3A_2, %dma_wait3A_43] : memref<10240x16xf32, #tpu.memory_space<vmem_shared>> -> memref<640x16xf32, #tpu.memory_space<vmem_shared>>
      %dma_wait3A_45 = arith.constant 0 : i32
      %dma_wait3A_46 = tpu.memref_slice %arg4[%mul3A_2, %dma_wait3A_45] : memref<10240x16xf32, #tpu.memory_space<hbm>> -> memref<640x16xf32, #tpu.memory_space<hbm>>
      tpu.wait_dma2 semaphore(%run_scoped3A : memref<!tpu.dma_semaphore, #tpu.memory_space<semaphore_mem>>) src(%dma_wait3A_46 : memref<640x16xf32, #tpu.memory_space<hbm>>) dst(%dma_wait3A_44 : memref<640x16xf32, #tpu.memory_space<vmem_shared>>)
      tpu.yield
    }) : () -> ()
    %dma_start3A = arith.constant 0 : i32
    %dma_start3A_3 = arith.constant 0 : i32
    %dma_start3A_4 = tpu.memref_slice %arg2[%add3A, %dma_start3A, %dma_start3A_3] : memref<32x10x1024xi32, #tpu.memory_space<hbm>> -> memref<1x10x1024xi32, #tpu.memory_space<hbm>>
    %dma_start3A_5 = tpu.memref_squeeze %dma_start3A_4 : memref<1x10x1024xi32, #tpu.memory_space<hbm>> -> memref<10x1024xi32, #tpu.memory_space<hbm>>
    %dma_start3A_6 = arith.constant 0 : i32
    %dma_start3A_7 = arith.constant 0 : i32
    %dma_start3A_8 = tpu.memref_slice %arg2[%add3A, %dma_start3A_6, %dma_start3A_7] : memref<32x10x1024xi32, #tpu.memory_space<hbm>> -> memref<1x10x1024xi32, #tpu.memory_space<hbm>>
    %dma_start3A_9 = tpu.memref_squeeze %dma_start3A_8 : memref<1x10x1024xi32, #tpu.memory_space<hbm>> -> memref<10x1024xi32, #tpu.memory_space<hbm>>
    tpu.enqueue_dma source(%dma_start3A_9 : memref<10x1024xi32, #tpu.memory_space<hbm>>) target(%arg6 : memref<10x1024xi32, #tpu.memory_space<vmem>>) target_semaphore(%arg10 : memref<!tpu.dma_semaphore, #tpu.memory_space<semaphore_mem>>)
    %dma_wait3A = arith.constant 0 : i32
    %dma_wait3A_10 = arith.constant 0 : i32
    %dma_wait3A_11 = tpu.memref_slice %arg2[%add3A, %dma_wait3A, %dma_wait3A_10] : memref<32x10x1024xi32, #tpu.memory_space<hbm>> -> memref<1x10x1024xi32, #tpu.memory_space<hbm>>
    %dma_wait3A_12 = tpu.memref_squeeze %dma_wait3A_11 : memref<1x10x1024xi32, #tpu.memory_space<hbm>> -> memref<10x1024xi32, #tpu.memory_space<hbm>>
    %dma_wait3A_13 = arith.constant 0 : i32
    %dma_wait3A_14 = arith.constant 0 : i32
    %dma_wait3A_15 = tpu.memref_slice %arg2[%add3A, %dma_wait3A_13, %dma_wait3A_14] : memref<32x10x1024xi32, #tpu.memory_space<hbm>> -> memref<1x10x1024xi32, #tpu.memory_space<hbm>>
    %dma_wait3A_16 = tpu.memref_squeeze %dma_wait3A_15 : memref<1x10x1024xi32, #tpu.memory_space<hbm>> -> memref<10x1024xi32, #tpu.memory_space<hbm>>
    tpu.wait_dma2 semaphore(%arg10 : memref<!tpu.dma_semaphore, #tpu.memory_space<semaphore_mem>>) src(%dma_wait3A_16 : memref<10x1024xi32, #tpu.memory_space<hbm>>) dst(%arg6 : memref<10x1024xi32, #tpu.memory_space<vmem>>)
    %dma_start3A_17 = arith.constant 0 : i32
    %dma_start3A_18 = arith.constant 0 : i32
    %dma_start3A_19 = tpu.memref_slice %arg3[%add3A, %dma_start3A_17, %dma_start3A_18] : memref<32x10x1024xi32, #tpu.memory_space<hbm>> -> memref<1x10x1024xi32, #tpu.memory_space<hbm>>
    %dma_start3A_20 = tpu.memref_squeeze %dma_start3A_19 : memref<1x10x1024xi32, #tpu.memory_space<hbm>> -> memref<10x1024xi32, #tpu.memory_space<hbm>>
    %dma_start3A_21 = arith.constant 0 : i32
    %dma_start3A_22 = arith.constant 0 : i32
    %dma_start3A_23 = tpu.memref_slice %arg3[%add3A, %dma_start3A_21, %dma_start3A_22] : memref<32x10x1024xi32, #tpu.memory_space<hbm>> -> memref<1x10x1024xi32, #tpu.memory_space<hbm>>
    %dma_start3A_24 = tpu.memref_squeeze %dma_start3A_23 : memref<1x10x1024xi32, #tpu.memory_space<hbm>> -> memref<10x1024xi32, #tpu.memory_space<hbm>>
    tpu.enqueue_dma source(%dma_start3A_24 : memref<10x1024xi32, #tpu.memory_space<hbm>>) target(%arg7 : memref<10x1024xi32, #tpu.memory_space<vmem>>) target_semaphore(%arg10 : memref<!tpu.dma_semaphore, #tpu.memory_space<semaphore_mem>>)
    %dma_wait3A_25 = arith.constant 0 : i32
    %dma_wait3A_26 = arith.constant 0 : i32
    %dma_wait3A_27 = tpu.memref_slice %arg3[%add3A, %dma_wait3A_25, %dma_wait3A_26] : memref<32x10x1024xi32, #tpu.memory_space<hbm>> -> memref<1x10x1024xi32, #tpu.memory_space<hbm>>
    %dma_wait3A_28 = tpu.memref_squeeze %dma_wait3A_27 : memref<1x10x1024xi32, #tpu.memory_space<hbm>> -> memref<10x1024xi32, #tpu.memory_space<hbm>>
    %dma_wait3A_29 = arith.constant 0 : i32
    %dma_wait3A_30 = arith.constant 0 : i32
    %dma_wait3A_31 = tpu.memref_slice %arg3[%add3A, %dma_wait3A_29, %dma_wait3A_30] : memref<32x10x1024xi32, #tpu.memory_space<hbm>> -> memref<1x10x1024xi32, #tpu.memory_space<hbm>>
    %dma_wait3A_32 = tpu.memref_squeeze %dma_wait3A_31 : memref<1x10x1024xi32, #tpu.memory_space<hbm>> -> memref<10x1024xi32, #tpu.memory_space<hbm>>
    tpu.wait_dma2 semaphore(%arg10 : memref<!tpu.dma_semaphore, #tpu.memory_space<semaphore_mem>>) src(%dma_wait3A_32 : memref<10x1024xi32, #tpu.memory_space<hbm>>) dst(%arg7 : memref<10x1024xi32, #tpu.memory_space<vmem>>)
    %barrier3A = arith.constant 0 : index
    tpu.barrier barrier_id(%barrier3A)
    %scan3A = arith.constant 0 : i32
    %scan3A_33 = arith.constant 0 : i32
    %scan3A_34 = arith.constant 5 : i32
    %scan3A_35 = arith.addi %scan3A_33, %scan3A_34 : i32
    %scan3A_36 = arith.constant 1 : i32
    scf.for %scan3A_39 = %scan3A_33 to %scan3A_35 step %scan3A_36  : i32 {
      %mul3A_40 = arith.constant 2 : i32
      %mul3A_41 = arith.muli %scan3A_39, %mul3A_40 : i32
      %add3A_42 = arith.constant 0 : i32
      %add3A_43 = arith.addi %mul3A_41, %add3A_42 : i32
      %dma_start3A_44 = arith.constant 0 : i32
      %dma_start3A_45 = arith.constant 0 : i32
      %dma_start3A_46 = arith.constant 0 : i32
      %dma_start3A_47 = tpu.memref_slice %arg8[%dma_start3A_44, %dma_start3A_45, %dma_start3A_46] : memref<2x1024x16xf32, #tpu.memory_space<vmem>> -> memref<1x1024x16xf32, #tpu.memory_space<vmem>>
      %dma_start3A_48 = tpu.memref_squeeze %dma_start3A_47 : memref<1x1024x16xf32, #tpu.memory_space<vmem>> -> memref<1024x16xf32, #tpu.memory_space<vmem>>
      %dma_start3A_49 = arith.constant 0 : i32
      %dma_start3A_50 = tpu.memref_slice %arg6[%add3A_43, %dma_start3A_49] : memref<10x1024xi32, #tpu.memory_space<vmem>> -> memref<1x1024xi32, #tpu.memory_space<vmem>>
      %dma_start3A_51 = tpu.memref_squeeze %dma_start3A_50 : memref<1x1024xi32, #tpu.memory_space<vmem>> -> memref<1024xi32, #tpu.memory_space<vmem>>
      %dma_start3A_52 = arith.constant 0 : i32
      %dma_start3A_53 = arith.constant 0 : i32
      %dma_start3A_54 = tpu.memref_slice %arg4[%dma_start3A_52, %dma_start3A_53] : memref<10240x16xf32, #tpu.memory_space<hbm>> -> memref<10240x16xf32, #tpu.memory_space<hbm>>
      tpu.enqueue_indirect_dma source(%dma_start3A_54 : memref<10240x16xf32, #tpu.memory_space<hbm>>) target(%dma_start3A_48 : memref<1024x16xf32, #tpu.memory_space<vmem>>) offsets(%dma_start3A_51 : memref<1024xi32, #tpu.memory_space<vmem>>) semaphore(%arg11 : memref<!tpu.dma_semaphore, #tpu.memory_space<semaphore_mem>>)
      %add3A_55 = arith.constant 1 : i32
      %add3A_56 = arith.addi %mul3A_41, %add3A_55 : i32
      %dma_start3A_57 = arith.constant 1 : i32
      %dma_start3A_58 = arith.constant 0 : i32
      %dma_start3A_59 = arith.constant 0 : i32
      %dma_start3A_60 = tpu.memref_slice %arg8[%dma_start3A_57, %dma_start3A_58, %dma_start3A_59] : memref<2x1024x16xf32, #tpu.memory_space<vmem>> -> memref<1x1024x16xf32, #tpu.memory_space<vmem>>
      %dma_start3A_61 = tpu.memref_squeeze %dma_start3A_60 : memref<1x1024x16xf32, #tpu.memory_space<vmem>> -> memref<1024x16xf32, #tpu.memory_space<vmem>>
      %dma_start3A_62 = arith.constant 0 : i32
      %dma_start3A_63 = tpu.memref_slice %arg6[%add3A_56, %dma_start3A_62] : memref<10x1024xi32, #tpu.memory_space<vmem>> -> memref<1x1024xi32, #tpu.memory_space<vmem>>
      %dma_start3A_64 = tpu.memref_squeeze %dma_start3A_63 : memref<1x1024xi32, #tpu.memory_space<vmem>> -> memref<1024xi32, #tpu.memory_space<vmem>>
      %dma_start3A_65 = arith.constant 0 : i32
      %dma_start3A_66 = arith.constant 0 : i32
      %dma_start3A_67 = tpu.memref_slice %arg4[%dma_start3A_65, %dma_start3A_66] : memref<10240x16xf32, #tpu.memory_space<hbm>> -> memref<10240x16xf32, #tpu.memory_space<hbm>>
      tpu.enqueue_indirect_dma source(%dma_start3A_67 : memref<10240x16xf32, #tpu.memory_space<hbm>>) target(%dma_start3A_61 : memref<1024x16xf32, #tpu.memory_space<vmem>>) offsets(%dma_start3A_64 : memref<1024xi32, #tpu.memory_space<vmem>>) semaphore(%arg12 : memref<!tpu.dma_semaphore, #tpu.memory_space<semaphore_mem>>)
      %dma_wait3A_68 = arith.constant 0 : i32
      %dma_wait3A_69 = arith.constant 0 : i32
      %dma_wait3A_70 = arith.constant 0 : i32
      %dma_wait3A_71 = tpu.memref_slice %arg8[%dma_wait3A_68, %dma_wait3A_69, %dma_wait3A_70] : memref<2x1024x16xf32, #tpu.memory_space<vmem>> -> memref<1x1024x16xf32, #tpu.memory_space<vmem>>
      %dma_wait3A_72 = tpu.memref_squeeze %dma_wait3A_71 : memref<1x1024x16xf32, #tpu.memory_space<vmem>> -> memref<1024x16xf32, #tpu.memory_space<vmem>>
      %dma_wait3A_73 = arith.constant 0 : i32
      %dma_wait3A_74 = tpu.memref_slice %arg6[%add3A_43, %dma_wait3A_73] : memref<10x1024xi32, #tpu.memory_space<vmem>> -> memref<1x1024xi32, #tpu.memory_space<vmem>>
      %dma_wait3A_75 = tpu.memref_squeeze %dma_wait3A_74 : memref<1x1024xi32, #tpu.memory_space<vmem>> -> memref<1024xi32, #tpu.memory_space<vmem>>
      %dma_wait3A_76 = arith.constant 0 : i32
      %dma_wait3A_77 = arith.constant 0 : i32
      %dma_wait3A_78 = tpu.memref_slice %arg4[%dma_wait3A_76, %dma_wait3A_77] : memref<10240x16xf32, #tpu.memory_space<hbm>> -> memref<10240x16xf32, #tpu.memory_space<hbm>>
      tpu.wait_indirect_dma semaphore(%arg11 : memref<!tpu.dma_semaphore, #tpu.memory_space<semaphore_mem>>) src(%dma_wait3A_78 : memref<10240x16xf32, #tpu.memory_space<hbm>>) dst(%dma_wait3A_72 : memref<1024x16xf32, #tpu.memory_space<vmem>>)
      %add3A_79 = arith.constant 0 : i32
      %add3A_80 = arith.addi %mul3A_41, %add3A_79 : i32
      %dma_start3A_81 = arith.constant 0 : i32
      %dma_start3A_82 = arith.constant 0 : i32
      %dma_start3A_83 = arith.constant 0 : i32
      %dma_start3A_84 = tpu.memref_slice %arg8[%dma_start3A_81, %dma_start3A_82, %dma_start3A_83] : memref<2x1024x16xf32, #tpu.memory_space<vmem>> -> memref<1x1024x16xf32, #tpu.memory_space<vmem>>
      %dma_start3A_85 = tpu.memref_squeeze %dma_start3A_84 : memref<1x1024x16xf32, #tpu.memory_space<vmem>> -> memref<1024x16xf32, #tpu.memory_space<vmem>>
      %dma_start3A_86 = arith.constant 0 : i32
      %dma_start3A_87 = tpu.memref_slice %arg7[%add3A_80, %dma_start3A_86] : memref<10x1024xi32, #tpu.memory_space<vmem>> -> memref<1x1024xi32, #tpu.memory_space<vmem>>
      %dma_start3A_88 = tpu.memref_squeeze %dma_start3A_87 : memref<1x1024xi32, #tpu.memory_space<vmem>> -> memref<1024xi32, #tpu.memory_space<vmem>>
      %dma_start3A_89 = arith.constant 0 : i32
      %dma_start3A_90 = arith.constant 0 : i32
      %dma_start3A_91 = tpu.memref_slice %arg9[%dma_start3A_89, %dma_start3A_90] : memref<10240x16xf32, #tpu.memory_space<vmem_shared>> -> memref<10240x16xf32, #tpu.memory_space<vmem_shared>>
      tpu.enqueue_indirect_dma source(%dma_start3A_85 : memref<1024x16xf32, #tpu.memory_space<vmem>>) target(%dma_start3A_91 : memref<10240x16xf32, #tpu.memory_space<vmem_shared>>) offsets(%dma_start3A_88 : memref<1024xi32, #tpu.memory_space<vmem>>) semaphore(%arg13 : memref<!tpu.dma_semaphore, #tpu.memory_space<semaphore_mem>>) {add = true}
      %dma_wait3A_92 = arith.constant 0 : i32
      %dma_wait3A_93 = arith.constant 0 : i32
      %dma_wait3A_94 = arith.constant 0 : i32
      %dma_wait3A_95 = tpu.memref_slice %arg8[%dma_wait3A_92, %dma_wait3A_93, %dma_wait3A_94] : memref<2x1024x16xf32, #tpu.memory_space<vmem>> -> memref<1x1024x16xf32, #tpu.memory_space<vmem>>
      %dma_wait3A_96 = tpu.memref_squeeze %dma_wait3A_95 : memref<1x1024x16xf32, #tpu.memory_space<vmem>> -> memref<1024x16xf32, #tpu.memory_space<vmem>>
      %dma_wait3A_97 = arith.constant 0 : i32
      %dma_wait3A_98 = tpu.memref_slice %arg7[%add3A_80, %dma_wait3A_97] : memref<10x1024xi32, #tpu.memory_space<vmem>> -> memref<1x1024xi32, #tpu.memory_space<vmem>>
      %dma_wait3A_99 = tpu.memref_squeeze %dma_wait3A_98 : memref<1x1024xi32, #tpu.memory_space<vmem>> -> memref<1024xi32, #tpu.memory_space<vmem>>
      %dma_wait3A_100 = arith.constant 0 : i32
      %dma_wait3A_101 = arith.constant 0 : i32
      %dma_wait3A_102 = tpu.memref_slice %arg9[%dma_wait3A_100, %dma_wait3A_101] : memref<10240x16xf32, #tpu.memory_space<vmem_shared>> -> memref<10240x16xf32, #tpu.memory_space<vmem_shared>>
      tpu.wait_indirect_dma semaphore(%arg13 : memref<!tpu.dma_semaphore, #tpu.memory_space<semaphore_mem>>) src(%dma_wait3A_96 : memref<1024x16xf32, #tpu.memory_space<vmem>>) dst(%dma_wait3A_102 : memref<10240x16xf32, #tpu.memory_space<vmem_shared>>)
      %dma_wait3A_103 = arith.constant 1 : i32
      %dma_wait3A_104 = arith.constant 0 : i32
      %dma_wait3A_105 = arith.constant 0 : i32
      %dma_wait3A_106 = tpu.memref_slice %arg8[%dma_wait3A_103, %dma_wait3A_104, %dma_wait3A_105] : memref<2x1024x16xf32, #tpu.memory_space<vmem>> -> memref<1x1024x16xf32, #tpu.memory_space<vmem>>
      %dma_wait3A_107 = tpu.memref_squeeze %dma_wait3A_106 : memref<1x1024x16xf32, #tpu.memory_space<vmem>> -> memref<1024x16xf32, #tpu.memory_space<vmem>>
      %dma_wait3A_108 = arith.constant 0 : i32
      %dma_wait3A_109 = tpu.memref_slice %arg6[%add3A_56, %dma_wait3A_108] : memref<10x1024xi32, #tpu.memory_space<vmem>> -> memref<1x1024xi32, #tpu.memory_space<vmem>>
      %dma_wait3A_110 = tpu.memref_squeeze %dma_wait3A_109 : memref<1x1024xi32, #tpu.memory_space<vmem>> -> memref<1024xi32, #tpu.memory_space<vmem>>
      %dma_wait3A_111 = arith.constant 0 : i32
      %dma_wait3A_112 = arith.constant 0 : i32
      %dma_wait3A_113 = tpu.memref_slice %arg4[%dma_wait3A_111, %dma_wait3A_112] : memref<10240x16xf32, #tpu.memory_space<hbm>> -> memref<10240x16xf32, #tpu.memory_space<hbm>>
      tpu.wait_indirect_dma semaphore(%arg12 : memref<!tpu.dma_semaphore, #tpu.memory_space<semaphore_mem>>) src(%dma_wait3A_113 : memref<10240x16xf32, #tpu.memory_space<hbm>>) dst(%dma_wait3A_107 : memref<1024x16xf32, #tpu.memory_space<vmem>>)
      %add3A_114 = arith.constant 1 : i32
      %add3A_115 = arith.addi %mul3A_41, %add3A_114 : i32
      %dma_start3A_116 = arith.constant 1 : i32
      %dma_start3A_117 = arith.constant 0 : i32
      %dma_start3A_118 = arith.constant 0 : i32
      %dma_start3A_119 = tpu.memref_slice %arg8[%dma_start3A_116, %dma_start3A_117, %dma_start3A_118] : memref<2x1024x16xf32, #tpu.memory_space<vmem>> -> memref<1x1024x16xf32, #tpu.memory_space<vmem>>
      %dma_start3A_120 = tpu.memref_squeeze %dma_start3A_119 : memref<1x1024x16xf32, #tpu.memory_space<vmem>> -> memref<1024x16xf32, #tpu.memory_space<vmem>>
      %dma_start3A_121 = arith.constant 0 : i32
      %dma_start3A_122 = tpu.memref_slice %arg7[%add3A_115, %dma_start3A_121] : memref<10x1024xi32, #tpu.memory_space<vmem>> -> memref<1x1024xi32, #tpu.memory_space<vmem>>
      %dma_start3A_123 = tpu.memref_squeeze %dma_start3A_122 : memref<1x1024xi32, #tpu.memory_space<vmem>> -> memref<1024xi32, #tpu.memory_space<vmem>>
      %dma_start3A_124 = arith.constant 0 : i32
      %dma_start3A_125 = arith.constant 0 : i32
      %dma_start3A_126 = tpu.memref_slice %arg9[%dma_start3A_124, %dma_start3A_125] : memref<10240x16xf32, #tpu.memory_space<vmem_shared>> -> memref<10240x16xf32, #tpu.memory_space<vmem_shared>>
      tpu.enqueue_indirect_dma source(%dma_start3A_120 : memref<1024x16xf32, #tpu.memory_space<vmem>>) target(%dma_start3A_126 : memref<10240x16xf32, #tpu.memory_space<vmem_shared>>) offsets(%dma_start3A_123 : memref<1024xi32, #tpu.memory_space<vmem>>) semaphore(%arg13 : memref<!tpu.dma_semaphore, #tpu.memory_space<semaphore_mem>>) {add = true}
      %dma_wait3A_127 = arith.constant 1 : i32
      %dma_wait3A_128 = arith.constant 0 : i32
      %dma_wait3A_129 = arith.constant 0 : i32
      %dma_wait3A_130 = tpu.memref_slice %arg8[%dma_wait3A_127, %dma_wait3A_128, %dma_wait3A_129] : memref<2x1024x16xf32, #tpu.memory_space<vmem>> -> memref<1x1024x16xf32, #tpu.memory_space<vmem>>
      %dma_wait3A_131 = tpu.memref_squeeze %dma_wait3A_130 : memref<1x1024x16xf32, #tpu.memory_space<vmem>> -> memref<1024x16xf32, #tpu.memory_space<vmem>>
      %dma_wait3A_132 = arith.constant 0 : i32
      %dma_wait3A_133 = tpu.memref_slice %arg7[%add3A_115, %dma_wait3A_132] : memref<10x1024xi32, #tpu.memory_space<vmem>> -> memref<1x1024xi32, #tpu.memory_space<vmem>>
      %dma_wait3A_134 = tpu.memref_squeeze %dma_wait3A_133 : memref<1x1024xi32, #tpu.memory_space<vmem>> -> memref<1024xi32, #tpu.memory_space<vmem>>
      %dma_wait3A_135 = arith.constant 0 : i32
      %dma_wait3A_136 = arith.constant 0 : i32
      %dma_wait3A_137 = tpu.memref_slice %arg9[%dma_wait3A_135, %dma_wait3A_136] : memref<10240x16xf32, #tpu.memory_space<vmem_shared>> -> memref<10240x16xf32, #tpu.memory_space<vmem_shared>>
      tpu.wait_indirect_dma semaphore(%arg13 : memref<!tpu.dma_semaphore, #tpu.memory_space<semaphore_mem>>) src(%dma_wait3A_131 : memref<1024x16xf32, #tpu.memory_space<vmem>>) dst(%dma_wait3A_137 : memref<10240x16xf32, #tpu.memory_space<vmem_shared>>)
    }
    %scan3A_37 = arith.constant 5 : i32
    %barrier3A_38 = arith.constant 0 : index
    tpu.barrier barrier_id(%barrier3A_38)
    "tpu.region"() ({
      %run_scoped3A = tpu.sem_alloc : memref<!tpu.dma_semaphore, #tpu.memory_space<semaphore_mem>>
      %dma_start3A_39 = arith.constant 0 : i32
      %dma_start3A_40 = tpu.memref_slice %arg5[%arg0, %mul3A_2, %dma_start3A_39] : memref<2x10240x16xf32, #tpu.memory_space<hbm>> -> memref<1x640x16xf32, #tpu.memory_space<hbm>>
      %dma_start3A_41 = tpu.memref_squeeze %dma_start3A_40 : memref<1x640x16xf32, #tpu.memory_space<hbm>> -> memref<640x16xf32, #tpu.memory_space<hbm>>
      %dma_start3A_42 = arith.constant 0 : i32
      %dma_start3A_43 = tpu.memref_slice %arg9[%mul3A_2, %dma_start3A_42] : memref<10240x16xf32, #tpu.memory_space<vmem_shared>> -> memref<640x16xf32, #tpu.memory_space<vmem_shared>>
      tpu.enqueue_dma source(%dma_start3A_43 : memref<640x16xf32, #tpu.memory_space<vmem_shared>>) target(%dma_start3A_41 : memref<640x16xf32, #tpu.memory_space<hbm>>) target_semaphore(%run_scoped3A : memref<!tpu.dma_semaphore, #tpu.memory_space<semaphore_mem>>)
      %dma_wait3A_44 = arith.constant 0 : i32
      %dma_wait3A_45 = tpu.memref_slice %arg5[%arg0, %mul3A_2, %dma_wait3A_44] : memref<2x10240x16xf32, #tpu.memory_space<hbm>> -> memref<1x640x16xf32, #tpu.memory_space<hbm>>
      %dma_wait3A_46 = tpu.memref_squeeze %dma_wait3A_45 : memref<1x640x16xf32, #tpu.memory_space<hbm>> -> memref<640x16xf32, #tpu.memory_space<hbm>>
      %dma_wait3A_47 = arith.constant 0 : i32
      %dma_wait3A_48 = tpu.memref_slice %arg9[%mul3A_2, %dma_wait3A_47] : memref<10240x16xf32, #tpu.memory_space<vmem_shared>> -> memref<640x16xf32, #tpu.memory_space<vmem_shared>>
      tpu.wait_dma2 semaphore(%run_scoped3A : memref<!tpu.dma_semaphore, #tpu.memory_space<semaphore_mem>>) src(%dma_wait3A_48 : memref<640x16xf32, #tpu.memory_space<vmem_shared>>) dst(%dma_wait3A_46 : memref<640x16xf32, #tpu.memory_space<hbm>>)
      tpu.yield
    }) : () -> ()
    return
  }
}

module attributes {stable_mosaic.version = 14 : i64} {
  func.func @_dense1_body(%arg0: memref<10240x128xf32, #tpu.memory_space<vmem>>, %arg1: memref<128x16xf32, #tpu.memory_space<vmem>>, %arg2: memref<2x10240x1xf32, #tpu.memory_space<vmem>>, %arg3: memref<10240x16xf32, #tpu.memory_space<vmem>>, %arg4: memref<10240x1xf32, #tpu.memory_space<vmem>>, %arg5: memref<10240x16xf32, #tpu.memory_space<vmem>>) attributes {dimension_semantics = [], scalar_prefetch = 0 : i64, scratch_operands = 0 : i64, tpu.core_type = #tpu.core_type<tc>} {
    %get3A = arith.constant 0 : index
    %get3A_0 = arith.constant 0 : index
    %get3A_1 = arith.constant 0 : index
    %get3A_2 = vector.load %arg2[%get3A, %get3A_0, %get3A_1] : memref<2x10240x1xf32, #tpu.memory_space<vmem>>, vector<1x10240x1xf32>
    %get3A_3 = vector.shape_cast %get3A_2 : vector<1x10240x1xf32> to vector<10240x1xf32>
    %get3A_4 = arith.constant 1 : index
    %get3A_5 = arith.constant 0 : index
    %get3A_6 = arith.constant 0 : index
    %get3A_7 = vector.load %arg2[%get3A_4, %get3A_5, %get3A_6] : memref<2x10240x1xf32, #tpu.memory_space<vmem>>, vector<1x10240x1xf32>
    %get3A_8 = vector.shape_cast %get3A_7 : vector<1x10240x1xf32> to vector<10240x1xf32>
    %add3A = arith.addf %get3A_3, %get3A_8 : vector<10240x1xf32>
    %sub3A = arith.constant 1.000000e+00 : f32
    %sub3A_9 = vector.broadcast %sub3A : f32 to vector<10240x1xf32>
    %sub3A_10 = arith.subf %add3A, %sub3A_9 : vector<10240x1xf32>
    %rsqrt3A = math.rsqrt %sub3A_10 : vector<10240x1xf32>
    %get3A_11 = arith.constant 0 : index
    %get3A_12 = arith.constant 0 : index
    %get3A_13 = vector.load %arg0[%get3A_11, %get3A_12] : memref<10240x128xf32, #tpu.memory_space<vmem>>, vector<10240x128xf32>
    %get3A_14 = arith.constant 0 : index
    %get3A_15 = arith.constant 0 : index
    %get3A_16 = vector.load %arg1[%get3A_14, %get3A_15] : memref<128x16xf32, #tpu.memory_space<vmem>>, vector<128x16xf32>
    %dot_general3A = arith.constant dense<0.000000e+00> : vector<10240x16xf32>
    %dot_general3A_17 = tpu.matmul %get3A_13, %get3A_16, %dot_general3A {dimension_numbers = #tpu.dot_dimension_numbers<[1], [0], [0], [1], [0, 0, 1, 1], [], []>, transpose_lhs_hint = false} : vector<10240x128xf32>, vector<128x16xf32>, vector<10240x16xf32> -> vector<10240x16xf32>
    %mul3A = vector.broadcast %rsqrt3A : vector<10240x1xf32> to vector<10240x16xf32>
    %mul3A_18 = arith.mulf %dot_general3A_17, %mul3A : vector<10240x16xf32>
    %swap3A = arith.constant 0 : index
    %swap3A_19 = arith.constant 0 : index
    %swap3A_20 = vector.load %arg3[%swap3A, %swap3A_19] : memref<10240x16xf32, #tpu.memory_space<vmem>>, vector<10240x16xf32>
    tpu.vector_store %arg3[%swap3A, %swap3A_19], %mul3A_18 {strides = array<i32>} : memref<10240x16xf32, #tpu.memory_space<vmem>>, vector<10240x16xf32>,
    %swap3A_21 = arith.constant 0 : index
    %swap3A_22 = arith.constant 0 : index
    %swap3A_23 = vector.load %arg4[%swap3A_21, %swap3A_22] : memref<10240x1xf32, #tpu.memory_space<vmem>>, vector<10240x1xf32>
    tpu.vector_store %arg4[%swap3A_21, %swap3A_22], %rsqrt3A {strides = array<i32>} : memref<10240x1xf32, #tpu.memory_space<vmem>>, vector<10240x1xf32>,
    %broadcast_in_dim3A = vector.shape_cast %rsqrt3A : vector<10240x1xf32> to vector<10240x1xf32>
    %broadcast_in_dim3A_24 = vector.broadcast %broadcast_in_dim3A : vector<10240x1xf32> to vector<10240x16xf32>
    %swap3A_25 = arith.constant 0 : index
    %swap3A_26 = arith.constant 0 : index
    %swap3A_27 = vector.load %arg5[%swap3A_25, %swap3A_26] : memref<10240x16xf32, #tpu.memory_space<vmem>>, vector<10240x16xf32>
    tpu.vector_store %arg5[%swap3A_25, %swap3A_26], %broadcast_in_dim3A_24 {strides = array<i32>} : memref<10240x16xf32, #tpu.memory_space<vmem>>, vector<10240x16xf32>,
    return
  }
}

module attributes {stable_mosaic.version = 14 : i64} {
  func.func @_final_body(%arg0: memref<2x10240x16xf32, #tpu.memory_space<vmem>>, %arg1: memref<10240x16xf32, #tpu.memory_space<vmem>>, %arg2: memref<10240x1xf32, #tpu.memory_space<vmem>>, %arg3: memref<16x64xf32, #tpu.memory_space<vmem>>, %arg4: memref<1x64xf32, #tpu.memory_space<vmem>>, %arg5: memref<10240x64xf32, #tpu.memory_space<vmem>>) attributes {dimension_semantics = [], scalar_prefetch = 0 : i64, scratch_operands = 0 : i64, tpu.core_type = #tpu.core_type<tc>} {
    %get3A = arith.constant 0 : index
    %get3A_0 = arith.constant 0 : index
    %get3A_1 = arith.constant 0 : index
    %get3A_2 = vector.load %arg0[%get3A, %get3A_0, %get3A_1] : memref<2x10240x16xf32, #tpu.memory_space<vmem>>, vector<1x10240x16xf32>
    %get3A_3 = vector.shape_cast %get3A_2 : vector<1x10240x16xf32> to vector<10240x16xf32>
    %get3A_4 = arith.constant 1 : index
    %get3A_5 = arith.constant 0 : index
    %get3A_6 = arith.constant 0 : index
    %get3A_7 = vector.load %arg0[%get3A_4, %get3A_5, %get3A_6] : memref<2x10240x16xf32, #tpu.memory_space<vmem>>, vector<1x10240x16xf32>
    %get3A_8 = vector.shape_cast %get3A_7 : vector<1x10240x16xf32> to vector<10240x16xf32>
    %add3A = arith.addf %get3A_3, %get3A_8 : vector<10240x16xf32>
    %get3A_9 = arith.constant 0 : index
    %get3A_10 = arith.constant 0 : index
    %get3A_11 = vector.load %arg1[%get3A_9, %get3A_10] : memref<10240x16xf32, #tpu.memory_space<vmem>>, vector<10240x16xf32>
    %sub3A = arith.subf %add3A, %get3A_11 : vector<10240x16xf32>
    %get3A_12 = arith.constant 0 : index
    %get3A_13 = arith.constant 0 : index
    %get3A_14 = vector.load %arg2[%get3A_12, %get3A_13] : memref<10240x1xf32, #tpu.memory_space<vmem>>, vector<10240x1xf32>
    %mul3A = vector.broadcast %get3A_14 : vector<10240x1xf32> to vector<10240x16xf32>
    %mul3A_15 = arith.mulf %mul3A, %sub3A : vector<10240x16xf32>
    %get3A_16 = arith.constant 0 : index
    %get3A_17 = arith.constant 0 : index
    %get3A_18 = vector.load %arg3[%get3A_16, %get3A_17] : memref<16x64xf32, #tpu.memory_space<vmem>>, vector<16x64xf32>
    %dot_general3A = arith.constant dense<0.000000e+00> : vector<10240x64xf32>
    %dot_general3A_19 = tpu.matmul %mul3A_15, %get3A_18, %dot_general3A {dimension_numbers = #tpu.dot_dimension_numbers<[1], [0], [0], [1], [0, 0, 1, 1], [], []>, transpose_lhs_hint = false} : vector<10240x16xf32>, vector<16x64xf32>, vector<10240x64xf32> -> vector<10240x64xf32>
    %get3A_20 = arith.constant 0 : index
    %get3A_21 = arith.constant 0 : index
    %get3A_22 = vector.load %arg4[%get3A_20, %get3A_21] : memref<1x64xf32, #tpu.memory_space<vmem>>, vector<1x64xf32>
    %add3A_23 = vector.broadcast %get3A_22 : vector<1x64xf32> to vector<10240x64xf32>
    %add3A_24 = arith.addf %dot_general3A_19, %add3A_23 : vector<10240x64xf32>
    %swap3A = arith.constant 0 : index
    %swap3A_25 = arith.constant 0 : index
    %swap3A_26 = vector.load %arg5[%swap3A, %swap3A_25] : memref<10240x64xf32, #tpu.memory_space<vmem>>, vector<10240x64xf32>
    tpu.vector_store %arg5[%swap3A, %swap3A_25], %add3A_24 {strides = array<i32>} : memref<10240x64xf32, #tpu.memory_space<vmem>>, vector<10240x64xf32>,
    return
  }
}

</mosaic_0001>

<sc_bundles>
// kernel: kernel.10.cloned.1.call-start
scs
__scs_entry_jumppad:
0x0: {  	(pc) =	sbr.rel $0x88, $3  }
0x1: {  	(tag) =	ssettag $0x0;
	lr =	simm.s32 $0x1  }
0x2: {  	[smem:$0x3F9B] =	sst lr;
	_ =	strace $0xD0000000  }
0x3: {  	_ = 	snop  }
0x4: {  	_ = 	snop  }
0x5: {  	_ = 	snop  }
0x6: {  	_ = 	snop  }
0x7: {  	_ = 	snop  }
__scs_overlays_trampoline_lowered:
0x8: {  	[smem:$0x3FAA] =	sst s0  }
0x9: {  	[smem:$0x3FAB] =	sst s1  }
0xa: {  	[smem:$0x3FAC] =	sst s2  }
0xb: {  	[smem:$0x3FAD] =	sst s3  }
0xc: {  	[smem:$0x3FAE] =	sst s4  }
0xd: {  	[smem:$0x3FAF] =	sst s5  }
0xe: {  	[smem:$0x3FB0] =	sst s6  }
0xf: {  	[smem:$0x3FB1] =	sst s7  }
0x10: {  	[smem:$0x3FB2] =	sst s8  }
0x11: {  	[smem:$0x3FB3] =	sst s9;
	s0 =	simm.s32 @!p0 $0x0  }
0x12: {  	s1 =	sld [smem:$0x3F99];
	s0 =	simm.s32 @p0 $0x1  }
0x13: {  	[smem:$0x3FB4] =	sst s0;
	s0 =	simm.s32 @!p1 $0x0  }
0x14: {  	s2 =	sld [smem:$0x3F98];
	s0 =	simm.s32 @p1 $0x1  }
0x15: {  	[smem:$0x3FB5] =	sst s0;
	s0 =	simm.s32 @!p2 $0x0  }
0x16: {  	s3 =	sld [smem:$0x3FDB];
	s0 =	simm.s32 @p2 $0x1  }
0x17: {  	s4 =	simm.s32 $0x1BF5;
	[smem:$0x3FB7] =	sst s0  }
0x18: {  	s0 =	sld [smem:$0x3F9A];
	_ =	swait.ge [sflag:s4], $0x0  }
0x19: {  	s7 =	sld [smem:$0x3F9B]  }
0x1a: {  	s8 =	sadd.s32 $0xFFFFE003, lr  }
0x1b: {  	s9 =	sadd.s32 $0xFFFFFEF7, lr;
	s5 =	simm.s32 $0xFFFFFFFF;
	p2 =	slt.u32 s8, $0xFFFFF086  }
0x1c: {  	p1 =	slt.u32 s9, $0xF7A;
	s5 =	simm.s32 @!p2 $0x0  }
0x1d: {  	s5 =	simm.s32 @p1 $0x1;
	p0 =	seq.s32 s7, s2  }
0x1e: {  	s7 =	smul.u32 @!p0 $0xF7A, s2;
	p2 =	seq.s32 @!p0 s5, $0x0  }
0x1f: {  	s9 =	smul.u32 $0xF7A, s1;
	s8 =	simm.s32 @!p0 $0x1BF5;
	p2 =	por !p2, p0  }
0x20: {  	[sflag:s8] =	ssyncset.s32 @!p0 $0xFFFFF086;
	s6 =	sadd.s32 @!p0 s3, s7;
	s7 =	simm.s32 @!p0 $0x108  }
0x21: {  	s3 =	sadd.s32 s3, s9;
	s6 =	sadd.s32 @!p0 $0x88, s6;
	s7 =	simm.s32 @p2 $0x1082  }
0x22: {  	[simem:s7], [sflag:s8] =	dma.local @!p0 [hbm:s6], $0xF7A  }
0x23: {  	s9 =	sor.u32 $0xD0000000, s2;
	s6 =	simm.s32 $0x108;
	_ =	swait.ge @!p0 [sflag:s8], $0x0  }
0x24: {  	s3 =	sadd.s32 $0x88, s3;
	s6 =	simm.s32 @!p1 $0x1082;
	[sflag:s4] =	ssyncset.s32 $0xFFFFF086  }
0x25: {  	[simem:s6], [sflag:s4] =	dma.local [hbm:s3], $0xF7A  }
0x26: {  	[smem:$0x3F9B] =	sst s1;
	(tag) =	ssettag s2;
	_ =	strace s9  }
0x27: {  	s1 =	sld [smem:$0x3FAB]  }
0x28: {  	s2 =	sld [smem:$0x3FAC]  }
0x29: {  	s4 =	sld [smem:$0x3FAE]  }
0x2a: {  	p0 =	seq.s32 s5, $0x0;
	s5 =	sld [smem:$0x3FAF]  }
0x2b: {  	s6 =	sld [smem:$0x3FB0]  }
0x2c: {  	s7 =	sld [smem:$0x3FB1]  }
0x2d: {  	s3 =	simm.s32 $0x108;
	s8 =	sld [smem:$0x3FB2]  }
0x2e: {  	s3 =	simm.s32 @!p0 $0x1082;
	s9 =	sld [smem:$0x3FB3]  }
0x2f: {  	lr =	sadd.s32 s0, s3;
	s0 =	sld [smem:$0x3FAA]  }
0x30: {  	s3 =	sld [smem:$0x3FAD]  }
0x31: {  	[smem:$0x3FB6] =	sst s10  }
0x32: {  	s10 =	sld [smem:$0x3FB4];
	_ =	sdelay $0x3  }
0x33: {  	p0 =	seq.s32 s10, $0x1;
	s10 =	sld [smem:$0x3FB6];
	_ =	sdelay $0x3  }
0x34: {  	[smem:$0x3FB6] =	sst s10  }
0x35: {  	s10 =	sld [smem:$0x3FB5];
	_ =	sdelay $0x3  }
0x36: {  	p1 =	seq.s32 s10, $0x1;
	s10 =	sld [smem:$0x3FB6];
	_ =	sdelay $0x3  }
0x37: {  	[smem:$0x3FB6] =	sst s10  }
0x38: {  	s10 =	sld [smem:$0x3FB7]  }
0x39: {  	_ = 	snop;
	(pc) =	sbr.ind lr, $3  }
0x3a: {  	_ = 	snop  }
0x3b: {  	_ = 	snop  }
0x3c: {  	p2 =	seq.s32 s10, $0x1;
	s10 =	sld [smem:$0x3FB6]  }
0x3d: {  	_ =	shalt  }
0x3e: {  	_ =	shalt  }
0x3f: {  	_ =	shalt  }
0x40: {  	_ =	shalt  }
0x41: {  	_ =	shalt  }
0x42: {  	_ =	shalt  }
0x43: {  	_ =	shalt  }
0x44: {  	_ =	shalt  }
0x45: {  	_ =	shalt  }
0x46: {  	_ =	shalt  }
0x47: {  	_ =	shalt  }
0x48: {  	_ =	shalt  }
0x49: {  	_ =	shalt  }
0x4a: {  	_ =	shalt  }
0x4b: {  	_ =	shalt  }
0x4c: {  	_ =	shalt  }
0x4d: {  	_ =	shalt  }
0x4e: {  	_ =	shalt  }
0x4f: {  	_ =	shalt  }
0x50: {  	_ =	shalt  }
0x51: {  	_ =	shalt  }
0x52: {  	_ =	shalt  }
0x53: {  	_ =	shalt  }
0x54: {  	_ =	shalt  }
0x55: {  	_ =	shalt  }
0x56: {  	_ =	shalt  }
0x57: {  	_ =	shalt  }
0x58: {  	_ =	shalt  }
0x59: {  	_ =	shalt  }
0x5a: {  	_ =	shalt  }
0x5b: {  	_ =	shalt  }
0x5c: {  	_ =	shalt  }
0x5d: {  	_ =	shalt  }
0x5e: {  	_ =	shalt  }
0x5f: {  	_ =	shalt  }
0x60: {  	_ =	shalt  }
0x61: {  	_ =	shalt  }
0x62: {  	_ =	shalt  }
0x63: {  	_ =	shalt  }
0x64: {  	_ =	shalt  }
0x65: {  	_ =	shalt  }
0x66: {  	_ =	shalt  }
0x67: {  	_ =	shalt  }
0x68: {  	_ =	shalt  }
0x69: {  	_ =	shalt  }
0x6a: {  	_ =	shalt  }
0x6b: {  	_ =	shalt  }
0x6c: {  	_ =	shalt  }
0x6d: {  	_ =	shalt  }
0x6e: {  	_ =	shalt  }
0x6f: {  	_ =	shalt  }
0x70: {  	_ =	shalt  }
0x71: {  	_ =	shalt  }
0x72: {  	_ =	shalt  }
0x73: {  	_ =	shalt  }
0x74: {  	_ =	shalt  }
0x75: {  	_ =	shalt  }
0x76: {  	_ =	shalt  }
0x77: {  	_ =	shalt  }
0x78: {  	_ =	shalt  }
0x79: {  	_ =	shalt  }
0x7a: {  	_ =	shalt  }
0x7b: {  	_ =	shalt  }
0x7c: {  	_ =	shalt  }
0x7d: {  	_ =	shalt  }
0x7e: {  	_ =	shalt  }
0x7f: {  	_ =	shalt  }
0x80: {  	_ =	shalt  }
0x81: {  	_ =	shalt  }
0x82: {  	_ =	shalt  }
0x83: {  	_ =	shalt  }
0x84: {  	_ =	shalt  }
0x85: {  	_ =	shalt  }
0x86: {  	_ =	shalt  }
0x87: {  	_ =	shalt  }
.Lfunc_end0:
.L_simem_size_0:
called_computation.1_lowered:
.L_overlay_start_0:
0x88: {  	s2 =	sld [smem:$0x3FD9]  }
0x89: {  	s3 =	sld [smem:$0x3FFE];
	_ =	sdelay $0x1  }
0x8a: {  	s1 =	srdreg.scid  }
0x8b: {  	s0 =	sand.u32 $0x1, s1  }
0x8c: {  	s17 =	sshll.u32 s0, $0xA;
	s2 =	sadd.s32 s3, s2  }
0x8d: {  	s2 =	sadd.s32 s2, s17  }
0x8e: {  	[smem:$0x3FC2] =	sst s2  }
0x8f: {  	_ = 	snop  }
0x90: {  	s2 =	sld [smem:$0x3FD0];
	(tm) =	ssettm $0x1  }
0x91: {  	s18 =	sld [smem:$0x3FFB];
	_ =	sdelay $0x3  }
0x92: {  	_ =	strace s18  }
0x93: {  	s3 =	sld [smem:$0x3FFC];
	_ =	sdelay $0x3  }
0x94: {  	_ =	strace s3  }
0x95: {  	s3 =	sld [smem:$0x3FFD];
	_ =	sdelay $0x3  }
0x96: {  	_ =	strace s3  }
0x97: {  	_ =	strace $0x8FFFFFFF  }
0x98: {  	s19 =	sld [smem:$0x3FDB];
	_ =	sdelay $0x1  }
0x99: {  	s4 =	simm.s32 $_scs_section_size  }
0x9a: {  	s5 =	simm.s32 $_size__tile_overlayer_lowered;
	s6 =	simm.s32 $_tile_overlayer_lowered  }
0x9b: {  	s22 =	simm.s32 $0x1BFF;
	s21 =	sshll.u32 s6, $0x1;
	s3 =	sadd.s32 s4, s19  }
0x9c: {  	s7 =	simm.s32 $0x0;
	s20 =	sshll.u32 s5, $0x1;
	s5 =	sadd.s32 s21, s3  }
0x9d: {  	[timem:s7], [sflag:s22] =	dma.local [hbm:s5], s20  }
0x9e: {  	_ =	swait.ge [sflag:s22], s20  }
0x9f: {  	s4 =	ssub.s32 $0x0, s20;
	[sflag:s22] =	ssyncset.done $0x0  }
0xa0: {  	[sflag:s22] =	ssyncadd.s32 s4;
	_ =	sdelay $0x1  }
0xa1: {  	s23 =	simm.s32 $0x1B8B  }
0xa2: {  	_ =	swait.ge [sflag:s23], $0x1  }
0xa3: {  	[sflag:s23] =	ssyncset.done $0x0  }
0xa4: {  	s25 =	simm.s32 $0x1B8E;
	s24 =	sld [smem:$0x3FFE];
	[sflag:s23] =	ssyncadd.s32 $0xFFFFFFFF  }
0xa5: {  	s26 =	simm.s32 $execute0_lowered;
	[smem:$0x3FD2] =	sst s25  }
0xa6: {  	s5 =	sshll.u32 s26, $0x1;
	_ =	strace $0x80000049;
	[dreg:$0x1] =	wrdreg $0xFFFFFFFF  }
0xa7: {  	s28 =	simm.s32 $_size_execute0_lowered;
	s3 =	sadd.s32 s3, s5;
	[dreg:$0x0] =	wrdreg $0x0  }
0xa8: {  	s5 =	sshll.u32 s28, $0x1;
	[dreg:$0x2] =	wrdreg s3  }
0xa9: {  	[dreg:$0x3] =	wrdreg s5  }
0xaa: {  	[dreg:$0x4] =	wrdreg $0xC0  }
0xab: {  	_ =	task [dreg:s7], $0x5FFFF  }
0xac: {  	[dreg:$0x1] =	wrdreg $0xFFFFFFFF  }
0xad: {  	[dreg:$0x0] =	wrdreg $0x60  }
0xae: {  	[dreg:$0x2] =	wrdreg s24  }
0xaf: {  	[dreg:$0x3] =	wrdreg s2  }
0xb0: {  	[dreg:$0x4] =	wrdreg $0xD0000  }
0xb1: {  	[dreg:$0x5] =	wrdreg $0x9  }
0xb2: {  	_ =	task.clear_ibuf [dreg:s7], $0x6FFFF;
	_ =	strace $0x90000049  }
0xb3: {  	s29 =	simm.s32 $0x9;
	_ =	strace $0x8000004B  }
0xb4: {  	_ =	swait.ge [sflag:s29], $0x1  }
0xb5: {  	[sflag:s29] =	ssyncadd.s32 $0xFFFFFFFF  }
0xb6: {  	_ =	strace $0x9000004B  }
0xb7: {  	_ =	sfence  }
0xb8: {  	s30 =	sld [smem:$0x0];
	_ =	sdelay $0x2  }
0xb9: {  	s31 =	sshll.u32 s1, $0xD;
	s1 =	sshrl.u32 s1, $0x2  }
0xba: {  	s3 =	sand.u32 $0x4000, s31;
	s1 =	sadd.s32 s1, s30  }
0xbb: {  	s0 =	sor.u32 s3, s0;
	s1 =	sshll.u32 s1, $0x11  }
0xbc: {  	s0 =	sor.u32 s1, s0  }
0xbd: {  	s0 =	sadd.s32 $0x8F2B, s0  }
0xbe: {  	[sflag:s0] =	ssyncadd.remote.s32 $0x1  }
0xbf: {  	_ =	sfence.sel $0xFFFF  }
0xc0: {  	[dreg:$0x0] =	wrdreg $0xFFFFFFFF;
	(pc) =	sbr.abs _section_cstart, $3  }
0xc1: {  	[dreg:$0x1] =	wrdreg $0xFFFFFFFF  }
0xc2: {  	_ =	task.clear_ibuf [dreg:s7], $0x2FFFF;
	_ =	strace $0x9FFFFFFF  }
0xc3: {  	(tm) =	ssettm $0x7FFFFFFF  }
tec
execute0_lowered:
.L_overlay_start_1:
0x0: {  	(tag) =	ssettag $0x1  }
0x1: {  	s0 =	srdreg.scid  }
0x2: {  	s1 =	rddreg [dreg:$0x0];
	s10 =	stileid.u32  }
0x3: {  	s4 =	rddreg [dreg:$0x1];
	s21 =	simm.s32 $0x0;
	s31 =	simm.s32 $0x1  }
0x4: {  	s30 =	simm.s32 $0x2800;
	s12 =	simm.s32 $0x2;
	s25 =	simm.s32 $0x2C00  }
0x5: {  	s26 =	simm.s32 $0x800;
	s11 =	simm.s32 $0x3;
	s29 =	simm.s32 $0xC00  }
0x6: {  	s28 =	simm.s32 $0x3000;
	s18 =	simm.s32 $0x1800;
	s19 =	simm.s32 $0x1C00  }
0x7: {  	p0 =	por $0x0, $0x0;
	s20 =	simm.s32 $0x4000;
	s17 =	simm.s32 $0x4400  }
0x8: {  	s15 =	simm.s32 $0x2000;
	s16 =	simm.s32 $0x2400;
	s14 =	simm.s32 $0x4800  }
0x9: {  	s13 =	simm.s32 $0x4C00;
	s0 =	sand.u32 $0x1, s0;
	s6 =	smul.u32 $0x2800, s10  }
0xa: {  	[smem:$0x7FF] =	sst s21;
	s24 =	sshll.u32 s10, $0x6;
	s2 =	sshll.u32 s0, $0x4  }
0xb: {  	s7 =	smul.u32 $0x28000, s0;
	s0 =	ssub.s32 $0x2, s0;
	s3 =	sor.u32 s10, s2  }
0xc: {  	s2 =	rddreg [dreg:$0x2];
	_ =	strace $0x8000004A;
	s9 =	sshrl.u32 s6, $0x3  }
0xd: {  	s22 =	sshrl.u32 s0, $0x1;
	s10 =	simm.s32 $0x5000;
	[dreg:$0x8] =	wrdreg s25  }
0xe: {  	[dreg:$0x9] =	wrdreg s26;
	s26 =	simm.s32 $0x3400;
	s25 =	simm.s32 $0x1400  }
0xf: {  	s5 =	smul.u32 $0x500, s3;
	s3 =	sadd.s32 $0xE400, s1;
	s7 =	sadd.s32 s6, s7  }
0x10: {  	s0 =	ssub.s32 s0, s22;
	s6 =	sadd.s32 s6, s2;
	s22 =	simm.s32 $0x3C00  }
0x11: {  	s7 =	sshrl.u32 s7, $0x3;
	s9 =	sadd.s32 s3, s9;
	s0 =	smax.u32 s0, $0x1  }
0x12: {  	s6 =	sshrl.u32 s6, $0x3;
	s8 =	sadd.s32 s5, s1;
	s1 =	sadd.s32 s7, s1  }
0x13: {  	[dreg:$0x4] =	wrdreg s9;
	s4 =	sadd.s32 s4, s5;
	p1 =	sne.s32 s0, $0x1  }
.Ltmp0:
0x14: {  	s5 =	simm.s32 $0x5;
	s7 =	simm.s32 $0x400;
	(pc) =	sbr.rel @!p1 .LBB2_3-.Ltmp0, $4  }
0x15: {  	s9 =	simm.s32 $0x4;
	s23 =	sadd.s32 $0x4400, s8;
	[dreg:$0x6] =	wrdreg s4  }
0x16: {  	s1 =	sadd.s32 $0x13400, s1;
	s4 =	sor.u32 $0x1C05, s24;
	[dreg:$0x5] =	wrdreg s23  }
0x17: {  	s8 =	simm.s32 $0x9000;
	s24 =	simm.s32 $0x1000;
	[dreg:$0x7] =	wrdreg s1  }
0x18: {  	s23 =	simm.s32 $0x3800;
	s1 =	sadd.s32 $0xFFFFFFFF, s0;
	s0 =	rddreg [dreg:$0x4]  }
0x19: {  	[spmem:s6], [sflag:s4] =	dma.local [hbm:s0], $0x500  }
0x1a: {  	_ =	swait.ge [sflag:s5], $0x500  }
0x1b: {  	[sflag:s5] =	ssyncset.done $0x0  }
0x1c: {  	s0 =	rddreg [dreg:$0x5];
	[sflag:s5] =	ssyncadd.s32 $0xFFFFFB00  }
0x1d: {  	[tilespmem:s21], [sflag:$0x1] =	stream.linear.gather [hbm4b:s0+s21], $0x2800, $0x38;
	[tilespmem:$0xF800] =	vst v63  }
0x1e: {  	_ =	swait.ge [sflag:s31], $0x2800  }
0x1f: {  	[sflag:s31] =	ssyncset.done $0x0  }
0x20: {  	s0 =	rddreg [dreg:$0x6];
	[sflag:s31] =	ssyncadd.s32 $0xFFFFD800  }
0x21: {  	[tilespmem:s30], [sflag:$0x1] =	stream.linear.gather [hbm4b:s0+s21], $0x2800, $0x38;
	[tilespmem:$0xF800] =	vst v63  }
0x22: {  	_ =	swait.ge [sflag:s31], $0x2800  }
0x23: {  	[sflag:s31] =	ssyncset.done $0x0  }
0x24: {  	[sflag:s31] =	ssyncadd.s32 $0xFFFFD800  }
0x25: {  	[bflag:$0x0] =	sbarrier.arrive $0xFFFF  }
0x26: {  	[tilespmem:s10], [sflag:$0x2] =	stream.indirect.gather [hbm4b:s3+s7], $0x10, s21, s7, $0xb8;
	[tilespmem:$0xF800] =	vst v63  }
0x27: {  	_ = 	snop  }
0x28: {  	[tilespmem:s8], [sflag:$0x3] =	stream.indirect.gather [hbm4b:s3+s7], $0x10, s7, s7, $0xb8;
	[tilespmem:$0xF800] =	vst v63  }
0x29: {  	_ =	swait.ge [sflag:s12], $0x4000  }
0x2a: {  	[sflag:s12] =	ssyncset.done $0x0  }
0x2b: {  	[sflag:s12] =	ssyncadd.s32 $0xFFFFC000  }
0x2c: {  	[spmem:s2] =	stream.indirect.scatter.add.f32 [tilespmem:s10], [sflag:$0x4], $0x10, s30, s7, $0xb8;
	[tilespmem:$0xF800] =	vst v63  }
0x2d: {  	_ =	swait.ge [sflag:s9], $0x4000  }
0x2e: {  	[sflag:s9] =	ssyncset.done $0x0  }
0x2f: {  	[sflag:s9] =	ssyncadd.s32 $0xFFFFC000  }
0x30: {  	_ =	swait.ge [sflag:s11], $0x4000  }
0x31: {  	[sflag:s11] =	ssyncset.done $0x0  }
0x32: {  	s0 =	rddreg [dreg:$0x8];
	[sflag:s11] =	ssyncadd.s32 $0xFFFFC000  }
0x33: {  	[spmem:s2] =	stream.indirect.scatter.add.f32 [tilespmem:s8], [sflag:$0x4], $0x10, s0, s7, $0xb8;
	[tilespmem:$0xF800] =	vst v63  }
0x34: {  	_ =	swait.ge [sflag:s9], $0x4000  }
0x35: {  	[sflag:s9] =	ssyncset.done $0x0  }
0x36: {  	s0 =	rddreg [dreg:$0x9];
	[sflag:s9] =	ssyncadd.s32 $0xFFFFC000  }
0x37: {  	[tilespmem:s10], [sflag:$0x2] =	stream.indirect.gather [hbm4b:s3+s7], $0x10, s0, s7, $0xb8;
	[tilespmem:$0xF800] =	vst v63  }
0x38: {  	_ = 	snop  }
0x39: {  	[tilespmem:s8], [sflag:$0x3] =	stream.indirect.gather [hbm4b:s3+s7], $0x10, s29, s7, $0xb8;
	[tilespmem:$0xF800] =	vst v63  }
0x3a: {  	_ =	swait.ge [sflag:s12], $0x4000  }
0x3b: {  	[sflag:s12] =	ssyncset.done $0x0  }
0x3c: {  	[sflag:s12] =	ssyncadd.s32 $0xFFFFC000  }
0x3d: {  	[spmem:s2] =	stream.indirect.scatter.add.f32 [tilespmem:s10], [sflag:$0x4], $0x10, s28, s7, $0xb8;
	[tilespmem:$0xF800] =	vst v63  }
0x3e: {  	_ =	swait.ge [sflag:s9], $0x4000  }
0x3f: {  	[sflag:s9] =	ssyncset.done $0x0  }
0x40: {  	[sflag:s9] =	ssyncadd.s32 $0xFFFFC000  }
0x41: {  	_ =	swait.ge [sflag:s11], $0x4000  }
0x42: {  	[sflag:s11] =	ssyncset.done $0x0  }
0x43: {  	[sflag:s11] =	ssyncadd.s32 $0xFFFFC000  }
0x44: {  	[spmem:s2] =	stream.indirect.scatter.add.f32 [tilespmem:s8], [sflag:$0x4], $0x10, s26, s7, $0xb8;
	[tilespmem:$0xF800] =	vst v63  }
0x45: {  	_ =	swait.ge [sflag:s9], $0x4000  }
0x46: {  	[sflag:s9] =	ssyncset.done $0x0  }
0x47: {  	[sflag:s9] =	ssyncadd.s32 $0xFFFFC000  }
0x48: {  	[tilespmem:s10], [sflag:$0x2] =	stream.indirect.gather [hbm4b:s3+s7], $0x10, s24, s7, $0xb8;
	[tilespmem:$0xF800] =	vst v63  }
0x49: {  	_ = 	snop  }
0x4a: {  	[tilespmem:s8], [sflag:$0x3] =	stream.indirect.gather [hbm4b:s3+s7], $0x10, s25, s7, $0xb8;
	[tilespmem:$0xF800] =	vst v63  }
0x4b: {  	_ =	swait.ge [sflag:s12], $0x4000  }
0x4c: {  	[sflag:s12] =	ssyncset.done $0x0  }
0x4d: {  	[sflag:s12] =	ssyncadd.s32 $0xFFFFC000  }
0x4e: {  	[spmem:s2] =	stream.indirect.scatter.add.f32 [tilespmem:s10], [sflag:$0x4], $0x10, s23, s7, $0xb8;
	[tilespmem:$0xF800] =	vst v63  }
0x4f: {  	_ =	swait.ge [sflag:s9], $0x4000  }
0x50: {  	[sflag:s9] =	ssyncset.done $0x0  }
0x51: {  	[sflag:s9] =	ssyncadd.s32 $0xFFFFC000  }
0x52: {  	_ =	swait.ge [sflag:s11], $0x4000  }
0x53: {  	[sflag:s11] =	ssyncset.done $0x0  }
0x54: {  	[sflag:s11] =	ssyncadd.s32 $0xFFFFC000  }
0x55: {  	[spmem:s2] =	stream.indirect.scatter.add.f32 [tilespmem:s8], [sflag:$0x4], $0x10, s22, s7, $0xb8;
	[tilespmem:$0xF800] =	vst v63  }
0x56: {  	_ =	swait.ge [sflag:s9], $0x4000  }
0x57: {  	[sflag:s9] =	ssyncset.done $0x0  }
0x58: {  	[sflag:s9] =	ssyncadd.s32 $0xFFFFC000  }
0x59: {  	[tilespmem:s10], [sflag:$0x2] =	stream.indirect.gather [hbm4b:s3+s7], $0x10, s18, s7, $0xb8;
	[tilespmem:$0xF800] =	vst v63  }
0x5a: {  	_ = 	snop  }
0x5b: {  	[tilespmem:s8], [sflag:$0x3] =	stream.indirect.gather [hbm4b:s3+s7], $0x10, s19, s7, $0xb8;
	[tilespmem:$0xF800] =	vst v63  }
0x5c: {  	_ =	swait.ge [sflag:s12], $0x4000  }
0x5d: {  	[sflag:s12] =	ssyncset.done $0x0  }
0x5e: {  	[sflag:s12] =	ssyncadd.s32 $0xFFFFC000  }
0x5f: {  	[spmem:s2] =	stream.indirect.scatter.add.f32 [tilespmem:s10], [sflag:$0x4], $0x10, s20, s7, $0xb8;
	[tilespmem:$0xF800] =	vst v63  }
0x60: {  	_ =	swait.ge [sflag:s9], $0x4000  }
0x61: {  	[sflag:s9] =	ssyncset.done $0x0  }
0x62: {  	[sflag:s9] =	ssyncadd.s32 $0xFFFFC000  }
0x63: {  	_ =	swait.ge [sflag:s11], $0x4000  }
0x64: {  	[sflag:s11] =	ssyncset.done $0x0  }
0x65: {  	[sflag:s11] =	ssyncadd.s32 $0xFFFFC000  }
0x66: {  	[spmem:s2] =	stream.indirect.scatter.add.f32 [tilespmem:s8], [sflag:$0x4], $0x10, s17, s7, $0xb8;
	[tilespmem:$0xF800] =	vst v63  }
0x67: {  	_ =	swait.ge [sflag:s9], $0x4000  }
0x68: {  	[sflag:s9] =	ssyncset.done $0x0  }
0x69: {  	[sflag:s9] =	ssyncadd.s32 $0xFFFFC000  }
0x6a: {  	[tilespmem:s10], [sflag:$0x2] =	stream.indirect.gather [hbm4b:s3+s7], $0x10, s15, s7, $0xb8;
	[tilespmem:$0xF800] =	vst v63  }
0x6b: {  	_ = 	snop  }
0x6c: {  	[tilespmem:s8], [sflag:$0x3] =	stream.indirect.gather [hbm4b:s3+s7], $0x10, s16, s7, $0xb8;
	[tilespmem:$0xF800] =	vst v63  }
0x6d: {  	_ =	swait.ge [sflag:s12], $0x4000  }
0x6e: {  	[sflag:s12] =	ssyncset.done $0x0  }
0x6f: {  	[sflag:s12] =	ssyncadd.s32 $0xFFFFC000  }
0x70: {  	[spmem:s2] =	stream.indirect.scatter.add.f32 [tilespmem:s10], [sflag:$0x4], $0x10, s14, s7, $0xb8;
	[tilespmem:$0xF800] =	vst v63  }
0x71: {  	_ =	swait.ge [sflag:s9], $0x4000  }
0x72: {  	[sflag:s9] =	ssyncset.done $0x0  }
0x73: {  	[sflag:s9] =	ssyncadd.s32 $0xFFFFC000  }
0x74: {  	_ =	swait.ge [sflag:s11], $0x4000  }
0x75: {  	[sflag:s11] =	ssyncset.done $0x0  }
0x76: {  	[sflag:s11] =	ssyncadd.s32 $0xFFFFC000  }
0x77: {  	[spmem:s2] =	stream.indirect.scatter.add.f32 [tilespmem:s8], [sflag:$0x4], $0x10, s13, s7, $0xb8;
	[tilespmem:$0xF800] =	vst v63  }
0x78: {  	_ =	swait.ge [sflag:s9], $0x4000  }
0x79: {  	[sflag:s9] =	ssyncset.done $0x0  }
0x7a: {  	p1 =	sne.s32 s1, $0x1;
	[sflag:s9] =	ssyncadd.s32 $0xFFFFC000  }
.Ltmp1:
0x7b: {  	[bflag:$0x0] =	sbarrier.arrive $0xFFFF;
	(pc) =	sbr.rel @!p1 .LBB2_3-.Ltmp1, $4  }
0x7c: {  	s0 =	rddreg [dreg:$0x7]  }
0x7d: {  	[hbm:s0], [sflag:s4] =	dma.local [spmem:s6], $0x500  }
0x7e: {  	s1 =	sadd.s32 $0xFFFFFFFF, s1;
	_ =	swait.ge [sflag:s5], $0x500  }
0x7f: {  	p0 =	por $0x1, $0x1;
	s0 =	rddreg [dreg:$0x4];
	[sflag:s5] =	ssyncset.done $0x0  }
.LBB2_2:
0x80: {  	[sflag:s5] =	ssyncadd.s32 $0xFFFFFB00  }
0x81: {  	[spmem:s6], [sflag:s4] =	dma.local [hbm:s0], $0x500  }
0x82: {  	_ =	swait.ge [sflag:s5], $0x500  }
0x83: {  	[sflag:s5] =	ssyncset.done $0x0  }
0x84: {  	s0 =	rddreg [dreg:$0x5];
	[sflag:s5] =	ssyncadd.s32 $0xFFFFFB00  }
0x85: {  	[tilespmem:s21], [sflag:$0x1] =	stream.linear.gather [hbm4b:s0+s21], $0x2800, $0x38;
	[tilespmem:$0xF800] =	vst v63  }
0x86: {  	_ =	swait.ge [sflag:s31], $0x2800  }
0x87: {  	[sflag:s31] =	ssyncset.done $0x0  }
0x88: {  	s0 =	rddreg [dreg:$0x6];
	[sflag:s31] =	ssyncadd.s32 $0xFFFFD800  }
0x89: {  	[tilespmem:s30], [sflag:$0x1] =	stream.linear.gather [hbm4b:s0+s21], $0x2800, $0x38;
	[tilespmem:$0xF800] =	vst v63  }
0x8a: {  	_ =	swait.ge [sflag:s31], $0x2800  }
0x8b: {  	[sflag:s31] =	ssyncset.done $0x0  }
0x8c: {  	[sflag:s31] =	ssyncadd.s32 $0xFFFFD800  }
0x8d: {  	[bflag:$0x0] =	sbarrier.arrive $0xFFFF  }
0x8e: {  	[tilespmem:s10], [sflag:$0x2] =	stream.indirect.gather [hbm4b:s3+s7], $0x10, s21, s7, $0xb8;
	[tilespmem:$0xF800] =	vst v63  }
0x8f: {  	_ = 	snop  }
0x90: {  	[tilespmem:s8], [sflag:$0x3] =	stream.indirect.gather [hbm4b:s3+s7], $0x10, s7, s7, $0xb8;
	[tilespmem:$0xF800] =	vst v63  }
0x91: {  	_ =	swait.ge [sflag:s12], $0x4000  }
0x92: {  	[sflag:s12] =	ssyncset.done $0x0  }
0x93: {  	[sflag:s12] =	ssyncadd.s32 $0xFFFFC000  }
0x94: {  	[spmem:s2] =	stream.indirect.scatter.add.f32 [tilespmem:s10], [sflag:$0x4], $0x10, s30, s7, $0xb8;
	[tilespmem:$0xF800] =	vst v63  }
0x95: {  	_ =	swait.ge [sflag:s9], $0x4000  }
0x96: {  	[sflag:s9] =	ssyncset.done $0x0  }
0x97: {  	[sflag:s9] =	ssyncadd.s32 $0xFFFFC000  }
0x98: {  	_ =	swait.ge [sflag:s11], $0x4000  }
0x99: {  	[sflag:s11] =	ssyncset.done $0x0  }
0x9a: {  	s0 =	rddreg [dreg:$0x8];
	[sflag:s11] =	ssyncadd.s32 $0xFFFFC000  }
0x9b: {  	[spmem:s2] =	stream.indirect.scatter.add.f32 [tilespmem:s8], [sflag:$0x4], $0x10, s0, s7, $0xb8;
	[tilespmem:$0xF800] =	vst v63  }
0x9c: {  	_ =	swait.ge [sflag:s9], $0x4000  }
0x9d: {  	[sflag:s9] =	ssyncset.done $0x0  }
0x9e: {  	s0 =	rddreg [dreg:$0x9];
	[sflag:s9] =	ssyncadd.s32 $0xFFFFC000  }
0x9f: {  	[tilespmem:s10], [sflag:$0x2] =	stream.indirect.gather [hbm4b:s3+s7], $0x10, s0, s7, $0xb8;
	[tilespmem:$0xF800] =	vst v63  }
0xa0: {  	_ = 	snop  }
0xa1: {  	[tilespmem:s8], [sflag:$0x3] =	stream.indirect.gather [hbm4b:s3+s7], $0x10, s29, s7, $0xb8;
	[tilespmem:$0xF800] =	vst v63  }
0xa2: {  	_ =	swait.ge [sflag:s12], $0x4000  }
0xa3: {  	[sflag:s12] =	ssyncset.done $0x0  }
0xa4: {  	[sflag:s12] =	ssyncadd.s32 $0xFFFFC000  }
0xa5: {  	[spmem:s2] =	stream.indirect.scatter.add.f32 [tilespmem:s10], [sflag:$0x4], $0x10, s28, s7, $0xb8;
	[tilespmem:$0xF800] =	vst v63  }
0xa6: {  	_ =	swait.ge [sflag:s9], $0x4000  }
0xa7: {  	[sflag:s9] =	ssyncset.done $0x0  }
0xa8: {  	[sflag:s9] =	ssyncadd.s32 $0xFFFFC000  }
0xa9: {  	_ =	swait.ge [sflag:s11], $0x4000  }
0xaa: {  	[sflag:s11] =	ssyncset.done $0x0  }
0xab: {  	[sflag:s11] =	ssyncadd.s32 $0xFFFFC000  }
0xac: {  	[spmem:s2] =	stream.indirect.scatter.add.f32 [tilespmem:s8], [sflag:$0x4], $0x10, s26, s7, $0xb8;
	[tilespmem:$0xF800] =	vst v63  }
0xad: {  	_ =	swait.ge [sflag:s9], $0x4000  }
0xae: {  	[sflag:s9] =	ssyncset.done $0x0  }
0xaf: {  	[sflag:s9] =	ssyncadd.s32 $0xFFFFC000  }
0xb0: {  	[tilespmem:s10], [sflag:$0x2] =	stream.indirect.gather [hbm4b:s3+s7], $0x10, s24, s7, $0xb8;
	[tilespmem:$0xF800] =	vst v63  }
0xb1: {  	_ = 	snop  }
0xb2: {  	[tilespmem:s8], [sflag:$0x3] =	stream.indirect.gather [hbm4b:s3+s7], $0x10, s25, s7, $0xb8;
	[tilespmem:$0xF800] =	vst v63  }
0xb3: {  	_ =	swait.ge [sflag:s12], $0x4000  }
0xb4: {  	[sflag:s12] =	ssyncset.done $0x0  }
0xb5: {  	[sflag:s12] =	ssyncadd.s32 $0xFFFFC000  }
0xb6: {  	[spmem:s2] =	stream.indirect.scatter.add.f32 [tilespmem:s10], [sflag:$0x4], $0x10, s23, s7, $0xb8;
	[tilespmem:$0xF800] =	vst v63  }
0xb7: {  	_ =	swait.ge [sflag:s9], $0x4000  }
0xb8: {  	[sflag:s9] =	ssyncset.done $0x0  }
0xb9: {  	[sflag:s9] =	ssyncadd.s32 $0xFFFFC000  }
0xba: {  	_ =	swait.ge [sflag:s11], $0x4000  }
0xbb: {  	[sflag:s11] =	ssyncset.done $0x0  }
0xbc: {  	[sflag:s11] =	ssyncadd.s32 $0xFFFFC000  }
0xbd: {  	[spmem:s2] =	stream.indirect.scatter.add.f32 [tilespmem:s8], [sflag:$0x4], $0x10, s22, s7, $0xb8;
	[tilespmem:$0xF800] =	vst v63  }
0xbe: {  	_ =	swait.ge [sflag:s9], $0x4000  }
0xbf: {  	[sflag:s9] =	ssyncset.done $0x0  }
0xc0: {  	[sflag:s9] =	ssyncadd.s32 $0xFFFFC000  }
0xc1: {  	[tilespmem:s10], [sflag:$0x2] =	stream.indirect.gather [hbm4b:s3+s7], $0x10, s18, s7, $0xb8;
	[tilespmem:$0xF800] =	vst v63  }
0xc2: {  	_ = 	snop  }
0xc3: {  	[tilespmem:s8], [sflag:$0x3] =	stream.indirect.gather [hbm4b:s3+s7], $0x10, s19, s7, $0xb8;
	[tilespmem:$0xF800] =	vst v63  }
0xc4: {  	_ =	swait.ge [sflag:s12], $0x4000  }
0xc5: {  	[sflag:s12] =	ssyncset.done $0x0  }
0xc6: {  	[sflag:s12] =	ssyncadd.s32 $0xFFFFC000  }
0xc7: {  	[spmem:s2] =	stream.indirect.scatter.add.f32 [tilespmem:s10], [sflag:$0x4], $0x10, s20, s7, $0xb8;
	[tilespmem:$0xF800] =	vst v63  }
0xc8: {  	_ =	swait.ge [sflag:s9], $0x4000  }
0xc9: {  	[sflag:s9] =	ssyncset.done $0x0  }
0xca: {  	[sflag:s9] =	ssyncadd.s32 $0xFFFFC000  }
0xcb: {  	_ =	swait.ge [sflag:s11], $0x4000  }
0xcc: {  	[sflag:s11] =	ssyncset.done $0x0  }
0xcd: {  	[sflag:s11] =	ssyncadd.s32 $0xFFFFC000  }
0xce: {  	[spmem:s2] =	stream.indirect.scatter.add.f32 [tilespmem:s8], [sflag:$0x4], $0x10, s17, s7, $0xb8;
	[tilespmem:$0xF800] =	vst v63  }
0xcf: {  	_ =	swait.ge [sflag:s9], $0x4000  }
0xd0: {  	[sflag:s9] =	ssyncset.done $0x0  }
0xd1: {  	[sflag:s9] =	ssyncadd.s32 $0xFFFFC000  }
0xd2: {  	[tilespmem:s10], [sflag:$0x2] =	stream.indirect.gather [hbm4b:s3+s7], $0x10, s15, s7, $0xb8;
	[tilespmem:$0xF800] =	vst v63  }
0xd3: {  	_ = 	snop  }
0xd4: {  	[tilespmem:s8], [sflag:$0x3] =	stream.indirect.gather [hbm4b:s3+s7], $0x10, s16, s7, $0xb8;
	[tilespmem:$0xF800] =	vst v63  }
0xd5: {  	_ =	swait.ge [sflag:s12], $0x4000  }
0xd6: {  	[sflag:s12] =	ssyncset.done $0x0  }
0xd7: {  	[sflag:s12] =	ssyncadd.s32 $0xFFFFC000  }
0xd8: {  	[spmem:s2] =	stream.indirect.scatter.add.f32 [tilespmem:s10], [sflag:$0x4], $0x10, s14, s7, $0xb8;
	[tilespmem:$0xF800] =	vst v63  }
0xd9: {  	_ =	swait.ge [sflag:s9], $0x4000  }
0xda: {  	[sflag:s9] =	ssyncset.done $0x0  }
0xdb: {  	[sflag:s9] =	ssyncadd.s32 $0xFFFFC000  }
0xdc: {  	_ =	swait.ge [sflag:s11], $0x4000  }
0xdd: {  	[sflag:s11] =	ssyncset.done $0x0  }
0xde: {  	[sflag:s11] =	ssyncadd.s32 $0xFFFFC000  }
0xdf: {  	[spmem:s2] =	stream.indirect.scatter.add.f32 [tilespmem:s8], [sflag:$0x4], $0x10, s13, s7, $0xb8;
	[tilespmem:$0xF800] =	vst v63  }
0xe0: {  	_ =	swait.ge [sflag:s9], $0x4000  }
0xe1: {  	[sflag:s9] =	ssyncset.done $0x0  }
0xe2: {  	p1 =	sne.s32 s1, $0x1;
	[sflag:s9] =	ssyncadd.s32 $0xFFFFC000  }
.Ltmp2:
0xe3: {  	[bflag:$0x0] =	sbarrier.arrive $0xFFFF;
	(pc) =	sbr.rel @p1 .LBB2_2-.Ltmp2, $4  }
0xe4: {  	s0 =	rddreg [dreg:$0x7]  }
0xe5: {  	[hbm:s0], [sflag:s4] =	dma.local [spmem:s6], $0x500  }
0xe6: {  	_ =	swait.ge [sflag:s5], $0x500  }
0xe7: {  	s1 =	sadd.s32 $0xFFFFFFFF, s1;
	s0 =	rddreg [dreg:$0x4];
	[sflag:s5] =	ssyncset.done $0x0  }
.LBB2_3:
0xe8: {  	[sflag:s5] =	ssyncadd.s32 @p0 $0xFFFFFB00  }
0xe9: {  	[spmem:s6], [sflag:s4] =	dma.local [hbm:s0], $0x500  }
0xea: {  	_ =	swait.ge [sflag:s5], $0x500  }
0xeb: {  	[sflag:s5] =	ssyncset.done $0x0  }
0xec: {  	s1 =	rddreg [dreg:$0x5];
	[sflag:s5] =	ssyncadd.s32 $0xFFFFFB00  }
0xed: {  	[tilespmem:s21], [sflag:$0x1] =	stream.linear.gather [hbm4b:s1+s21], $0x2800, $0x38;
	[tilespmem:$0xF800] =	vst v63  }
0xee: {  	_ =	swait.ge [sflag:s31], $0x2800  }
0xef: {  	[sflag:s31] =	ssyncset.done $0x0  }
0xf0: {  	s1 =	rddreg [dreg:$0x6];
	[sflag:s31] =	ssyncadd.s32 $0xFFFFD800  }
0xf1: {  	[tilespmem:s30], [sflag:$0x1] =	stream.linear.gather [hbm4b:s1+s21], $0x2800, $0x38;
	[tilespmem:$0xF800] =	vst v63  }
0xf2: {  	_ =	swait.ge [sflag:s31], $0x2800  }
0xf3: {  	[sflag:s31] =	ssyncset.done $0x0  }
0xf4: {  	[sflag:s31] =	ssyncadd.s32 $0xFFFFD800  }
0xf5: {  	[bflag:$0x0] =	sbarrier.arrive $0xFFFF  }
0xf6: {  	[tilespmem:s10], [sflag:$0x2] =	stream.indirect.gather [hbm4b:s3+s7], $0x10, s21, s7, $0xb8;
	[tilespmem:$0xF800] =	vst v63  }
0xf7: {  	_ = 	snop  }
0xf8: {  	[tilespmem:s8], [sflag:$0x3] =	stream.indirect.gather [hbm4b:s3+s7], $0x10, s7, s7, $0xb8;
	[tilespmem:$0xF800] =	vst v63  }
0xf9: {  	_ =	swait.ge [sflag:s12], $0x4000  }
0xfa: {  	[sflag:s12] =	ssyncset.done $0x0  }
0xfb: {  	[sflag:s12] =	ssyncadd.s32 $0xFFFFC000  }
0xfc: {  	[spmem:s2] =	stream.indirect.scatter.add.f32 [tilespmem:s10], [sflag:$0x4], $0x10, s30, s7, $0xb8;
	[tilespmem:$0xF800] =	vst v63  }
0xfd: {  	_ =	swait.ge [sflag:s9], $0x4000  }
0xfe: {  	[sflag:s9] =	ssyncset.done $0x0  }
0xff: {  	[sflag:s9] =	ssyncadd.s32 $0xFFFFC000  }
0x100: {  	_ =	swait.ge [sflag:s11], $0x4000  }
0x101: {  	[sflag:s11] =	ssyncset.done $0x0  }
0x102: {  	s1 =	rddreg [dreg:$0x8];
	[sflag:s11] =	ssyncadd.s32 $0xFFFFC000  }
0x103: {  	[spmem:s2] =	stream.indirect.scatter.add.f32 [tilespmem:s8], [sflag:$0x4], $0x10, s1, s7, $0xb8;
	[tilespmem:$0xF800] =	vst v63  }
0x104: {  	_ =	swait.ge [sflag:s9], $0x4000  }
0x105: {  	[sflag:s9] =	ssyncset.done $0x0  }
0x106: {  	s21 =	rddreg [dreg:$0x9];
	[sflag:s9] =	ssyncadd.s32 $0xFFFFC000  }
0x107: {  	[tilespmem:s10], [sflag:$0x2] =	stream.indirect.gather [hbm4b:s3+s7], $0x10, s21, s7, $0xb8;
	[tilespmem:$0xF800] =	vst v63  }
0x108: {  	_ = 	snop  }
0x109: {  	[tilespmem:s8], [sflag:$0x3] =	stream.indirect.gather [hbm4b:s3+s7], $0x10, s29, s7, $0xb8;
	[tilespmem:$0xF800] =	vst v63  }
0x10a: {  	_ =	swait.ge [sflag:s12], $0x4000  }
0x10b: {  	[sflag:s12] =	ssyncset.done $0x0  }
0x10c: {  	[sflag:s12] =	ssyncadd.s32 $0xFFFFC000  }
0x10d: {  	[spmem:s2] =	stream.indirect.scatter.add.f32 [tilespmem:s10], [sflag:$0x4], $0x10, s28, s7, $0xb8;
	[tilespmem:$0xF800] =	vst v63  }
0x10e: {  	_ =	swait.ge [sflag:s9], $0x4000  }
0x10f: {  	[sflag:s9] =	ssyncset.done $0x0  }
0x110: {  	[sflag:s9] =	ssyncadd.s32 $0xFFFFC000  }
0x111: {  	_ =	swait.ge [sflag:s11], $0x4000  }
0x112: {  	[sflag:s11] =	ssyncset.done $0x0  }
0x113: {  	[sflag:s11] =	ssyncadd.s32 $0xFFFFC000  }
0x114: {  	[spmem:s2] =	stream.indirect.scatter.add.f32 [tilespmem:s8], [sflag:$0x4], $0x10, s26, s7, $0xb8;
	[tilespmem:$0xF800] =	vst v63  }
0x115: {  	_ =	swait.ge [sflag:s9], $0x4000  }
0x116: {  	[sflag:s9] =	ssyncset.done $0x0  }
0x117: {  	[sflag:s9] =	ssyncadd.s32 $0xFFFFC000  }
0x118: {  	[tilespmem:s10], [sflag:$0x2] =	stream.indirect.gather [hbm4b:s3+s7], $0x10, s24, s7, $0xb8;
	[tilespmem:$0xF800] =	vst v63  }
0x119: {  	_ = 	snop  }
0x11a: {  	[tilespmem:s8], [sflag:$0x3] =	stream.indirect.gather [hbm4b:s3+s7], $0x10, s25, s7, $0xb8;
	[tilespmem:$0xF800] =	vst v63  }
0x11b: {  	_ =	swait.ge [sflag:s12], $0x4000  }
0x11c: {  	[sflag:s12] =	ssyncset.done $0x0  }
0x11d: {  	[sflag:s12] =	ssyncadd.s32 $0xFFFFC000  }
0x11e: {  	[spmem:s2] =	stream.indirect.scatter.add.f32 [tilespmem:s10], [sflag:$0x4], $0x10, s23, s7, $0xb8;
	[tilespmem:$0xF800] =	vst v63  }
0x11f: {  	_ =	swait.ge [sflag:s9], $0x4000  }
0x120: {  	[sflag:s9] =	ssyncset.done $0x0  }
0x121: {  	[sflag:s9] =	ssyncadd.s32 $0xFFFFC000  }
0x122: {  	_ =	swait.ge [sflag:s11], $0x4000  }
0x123: {  	[sflag:s11] =	ssyncset.done $0x0  }
0x124: {  	[sflag:s11] =	ssyncadd.s32 $0xFFFFC000  }
0x125: {  	[spmem:s2] =	stream.indirect.scatter.add.f32 [tilespmem:s8], [sflag:$0x4], $0x10, s22, s7, $0xb8;
	[tilespmem:$0xF800] =	vst v63  }
0x126: {  	_ =	swait.ge [sflag:s9], $0x4000  }
0x127: {  	[sflag:s9] =	ssyncset.done $0x0  }
0x128: {  	[sflag:s9] =	ssyncadd.s32 $0xFFFFC000  }
0x129: {  	[tilespmem:s10], [sflag:$0x2] =	stream.indirect.gather [hbm4b:s3+s7], $0x10, s18, s7, $0xb8;
	[tilespmem:$0xF800] =	vst v63  }
0x12a: {  	_ = 	snop  }
0x12b: {  	[tilespmem:s8], [sflag:$0x3] =	stream.indirect.gather [hbm4b:s3+s7], $0x10, s19, s7, $0xb8;
	[tilespmem:$0xF800] =	vst v63  }
0x12c: {  	_ =	swait.ge [sflag:s12], $0x4000  }
0x12d: {  	[sflag:s12] =	ssyncset.done $0x0  }
0x12e: {  	[sflag:s12] =	ssyncadd.s32 $0xFFFFC000  }
0x12f: {  	[spmem:s2] =	stream.indirect.scatter.add.f32 [tilespmem:s10], [sflag:$0x4], $0x10, s20, s7, $0xb8;
	[tilespmem:$0xF800] =	vst v63  }
0x130: {  	_ =	swait.ge [sflag:s9], $0x4000  }
0x131: {  	[sflag:s9] =	ssyncset.done $0x0  }
0x132: {  	[sflag:s9] =	ssyncadd.s32 $0xFFFFC000  }
0x133: {  	_ =	swait.ge [sflag:s11], $0x4000  }
0x134: {  	[sflag:s11] =	ssyncset.done $0x0  }
0x135: {  	[sflag:s11] =	ssyncadd.s32 $0xFFFFC000  }
0x136: {  	[spmem:s2] =	stream.indirect.scatter.add.f32 [tilespmem:s8], [sflag:$0x4], $0x10, s17, s7, $0xb8;
	[tilespmem:$0xF800] =	vst v63  }
0x137: {  	_ =	swait.ge [sflag:s9], $0x4000  }
0x138: {  	[sflag:s9] =	ssyncset.done $0x0  }
0x139: {  	[sflag:s9] =	ssyncadd.s32 $0xFFFFC000  }
0x13a: {  	[tilespmem:s10], [sflag:$0x2] =	stream.indirect.gather [hbm4b:s3+s7], $0x10, s15, s7, $0xb8;
	[tilespmem:$0xF800] =	vst v63  }
0x13b: {  	_ = 	snop  }
0x13c: {  	[tilespmem:s8], [sflag:$0x3] =	stream.indirect.gather [hbm4b:s3+s7], $0x10, s16, s7, $0xb8;
	[tilespmem:$0xF800] =	vst v63  }
0x13d: {  	_ =	swait.ge [sflag:s12], $0x4000  }
0x13e: {  	[sflag:s12] =	ssyncset.done $0x0  }
0x13f: {  	[sflag:s12] =	ssyncadd.s32 $0xFFFFC000  }
0x140: {  	[spmem:s2] =	stream.indirect.scatter.add.f32 [tilespmem:s10], [sflag:$0x4], $0x10, s14, s7, $0xb8;
	[tilespmem:$0xF800] =	vst v63  }
0x141: {  	_ =	swait.ge [sflag:s9], $0x4000  }
0x142: {  	[sflag:s9] =	ssyncset.done $0x0  }
0x143: {  	[sflag:s9] =	ssyncadd.s32 $0xFFFFC000  }
0x144: {  	_ =	swait.ge [sflag:s11], $0x4000  }
0x145: {  	[sflag:s11] =	ssyncset.done $0x0  }
0x146: {  	[sflag:s11] =	ssyncadd.s32 $0xFFFFC000  }
0x147: {  	[spmem:s2] =	stream.indirect.scatter.add.f32 [tilespmem:s8], [sflag:$0x4], $0x10, s13, s7, $0xb8;
	[tilespmem:$0xF800] =	vst v63  }
0x148: {  	_ =	swait.ge [sflag:s9], $0x4000  }
0x149: {  	[sflag:s9] =	ssyncset.done $0x0  }
0x14a: {  	[sflag:s9] =	ssyncadd.s32 $0xFFFFC000  }
0x14b: {  	[bflag:$0x0] =	sbarrier.arrive $0xFFFF  }
0x14c: {  	s30 =	rddreg [dreg:$0x7]  }
0x14d: {  	[hbm:s30], [sflag:s4] =	dma.local [spmem:s6], $0x500  }
0x14e: {  	_ =	swait.ge [sflag:s5], $0x500  }
0x14f: {  	[sflag:s5] =	ssyncset.done $0x0  }
0x150: {  	[sflag:s5] =	ssyncadd.s32 $0xFFFFFB00  }
0x151: {  	_ =	sfence.sel $0x180000  }
0x152: {  	[bflag:$0x0] =	sbarrier.arrive $0xFFFF  }
0x153: {  	_ =	strace $0x9000004A  }
0x154: {  	s31 =	stileid.u32;
	[bflag:$0x2] =	sbarrier.arrive $0xFFFF  }
0x155: {  	p0 =	sne.s32 s31, $0x0;
	s0 =	rddreg [dreg:$0x3]  }
0x156: {  	s0 =	sadd.s32 @!p0 $0x100000, s0  }
0x157: {  	[sflag:s0] =	ssyncadd.tile.s32 @!p0 $0x1;
	_ =	shalt  }
.Lfunc_end2:
_tile_overlayer_lowered:
.L_overlay_start_2:
0x158: {  	(tag) =	ssettag $0x2  }
0x159: {  	s0 =	rddreg [dreg:$0x0];
	s2 =	stileid.u32  }
0x15a: {  	s1 =	rddreg [dreg:$0x1];
	p0 =	sne.s32 s2, $0x0  }
0x15b: {  	s3 =	rddreg [dreg:$0x2];
	[bflag:$0x3] =	sbarrier.arrive $0xFFFF;
	s2 =	simm.s32 @!p0 $0x1C05  }
0x15c: {  	[timem:s3], [sflag:s2] =	dma.local @!p0 [hbm:s0], s1  }
0x15d: {  	s0 =	simm.s32 @!p0 $0x5  }
0x15e: {  	_ =	swait.ge @!p0 [sflag:s0], s1  }
0x15f: {  	s1 =	ssub.s32 @!p0 $0x0, s1;
	[sflag:s0] =	ssyncset.done @!p0 $0x0  }
0x160: {  	[sflag:s0] =	ssyncadd.s32 @!p0 s1  }
0x161: {  	[bflag:$0x3] =	sbarrier.arrive $0xFFFF  }
0x162: {  	_ =	shalt  }

// kernel: kernel.13.cloned.1.call-start
scs
__scs_entry_jumppad:
0x0: {  	(pc) =	sbr.rel $0x88, $3  }
0x1: {  	(tag) =	ssettag $0x0;
	lr =	simm.s32 $0x1  }
0x2: {  	[smem:$0x3F9B] =	sst lr;
	_ =	strace $0xD0000000  }
0x3: {  	_ = 	snop  }
0x4: {  	_ = 	snop  }
0x5: {  	_ = 	snop  }
0x6: {  	_ = 	snop  }
0x7: {  	_ = 	snop  }
__scs_overlays_trampoline_lowered:
0x8: {  	[smem:$0x3FAA] =	sst s0  }
0x9: {  	[smem:$0x3FAB] =	sst s1  }
0xa: {  	[smem:$0x3FAC] =	sst s2  }
0xb: {  	[smem:$0x3FAD] =	sst s3  }
0xc: {  	[smem:$0x3FAE] =	sst s4  }
0xd: {  	[smem:$0x3FAF] =	sst s5  }
0xe: {  	[smem:$0x3FB0] =	sst s6  }
0xf: {  	[smem:$0x3FB1] =	sst s7  }
0x10: {  	[smem:$0x3FB2] =	sst s8  }
0x11: {  	[smem:$0x3FB3] =	sst s9;
	s0 =	simm.s32 @!p0 $0x0  }
0x12: {  	s1 =	sld [smem:$0x3F99];
	s0 =	simm.s32 @p0 $0x1  }
0x13: {  	[smem:$0x3FB4] =	sst s0;
	s0 =	simm.s32 @!p1 $0x0  }
0x14: {  	s2 =	sld [smem:$0x3F98];
	s0 =	simm.s32 @p1 $0x1  }
0x15: {  	[smem:$0x3FB5] =	sst s0;
	s0 =	simm.s32 @!p2 $0x0  }
0x16: {  	s3 =	sld [smem:$0x3FDB];
	s0 =	simm.s32 @p2 $0x1  }
0x17: {  	s4 =	simm.s32 $0x1BF5;
	[smem:$0x3FB7] =	sst s0  }
0x18: {  	s0 =	sld [smem:$0x3F9A];
	_ =	swait.ge [sflag:s4], $0x0  }
0x19: {  	s7 =	sld [smem:$0x3F9B]  }
0x1a: {  	s8 =	sadd.s32 $0xFFFFE003, lr  }
0x1b: {  	s9 =	sadd.s32 $0xFFFFFEF7, lr;
	s5 =	simm.s32 $0xFFFFFFFF;
	p2 =	slt.u32 s8, $0xFFFFF086  }
0x1c: {  	p1 =	slt.u32 s9, $0xF7A;
	s5 =	simm.s32 @!p2 $0x0  }
0x1d: {  	s5 =	simm.s32 @p1 $0x1;
	p0 =	seq.s32 s7, s2  }
0x1e: {  	s7 =	smul.u32 @!p0 $0xF7A, s2;
	p2 =	seq.s32 @!p0 s5, $0x0  }
0x1f: {  	s9 =	smul.u32 $0xF7A, s1;
	s8 =	simm.s32 @!p0 $0x1BF5;
	p2 =	por !p2, p0  }
0x20: {  	[sflag:s8] =	ssyncset.s32 @!p0 $0xFFFFF086;
	s6 =	sadd.s32 @!p0 s3, s7;
	s7 =	simm.s32 @!p0 $0x108  }
0x21: {  	s3 =	sadd.s32 s3, s9;
	s6 =	sadd.s32 @!p0 $0x88, s6;
	s7 =	simm.s32 @p2 $0x1082  }
0x22: {  	[simem:s7], [sflag:s8] =	dma.local @!p0 [hbm:s6], $0xF7A  }
0x23: {  	s9 =	sor.u32 $0xD0000000, s2;
	s6 =	simm.s32 $0x108;
	_ =	swait.ge @!p0 [sflag:s8], $0x0  }
0x24: {  	s3 =	sadd.s32 $0x88, s3;
	s6 =	simm.s32 @!p1 $0x1082;
	[sflag:s4] =	ssyncset.s32 $0xFFFFF086  }
0x25: {  	[simem:s6], [sflag:s4] =	dma.local [hbm:s3], $0xF7A  }
0x26: {  	[smem:$0x3F9B] =	sst s1;
	(tag) =	ssettag s2;
	_ =	strace s9  }
0x27: {  	s1 =	sld [smem:$0x3FAB]  }
0x28: {  	s2 =	sld [smem:$0x3FAC]  }
0x29: {  	s4 =	sld [smem:$0x3FAE]  }
0x2a: {  	p0 =	seq.s32 s5, $0x0;
	s5 =	sld [smem:$0x3FAF]  }
0x2b: {  	s6 =	sld [smem:$0x3FB0]  }
0x2c: {  	s7 =	sld [smem:$0x3FB1]  }
0x2d: {  	s3 =	simm.s32 $0x108;
	s8 =	sld [smem:$0x3FB2]  }
0x2e: {  	s3 =	simm.s32 @!p0 $0x1082;
	s9 =	sld [smem:$0x3FB3]  }
0x2f: {  	lr =	sadd.s32 s0, s3;
	s0 =	sld [smem:$0x3FAA]  }
0x30: {  	s3 =	sld [smem:$0x3FAD]  }
0x31: {  	[smem:$0x3FB6] =	sst s10  }
0x32: {  	s10 =	sld [smem:$0x3FB4];
	_ =	sdelay $0x3  }
0x33: {  	p0 =	seq.s32 s10, $0x1;
	s10 =	sld [smem:$0x3FB6];
	_ =	sdelay $0x3  }
0x34: {  	[smem:$0x3FB6] =	sst s10  }
0x35: {  	s10 =	sld [smem:$0x3FB5];
	_ =	sdelay $0x3  }
0x36: {  	p1 =	seq.s32 s10, $0x1;
	s10 =	sld [smem:$0x3FB6];
	_ =	sdelay $0x3  }
0x37: {  	[smem:$0x3FB6] =	sst s10  }
0x38: {  	s10 =	sld [smem:$0x3FB7]  }
0x39: {  	_ = 	snop;
	(pc) =	sbr.ind lr, $3  }
0x3a: {  	_ = 	snop  }
0x3b: {  	_ = 	snop  }
0x3c: {  	p2 =	seq.s32 s10, $0x1;
	s10 =	sld [smem:$0x3FB6]  }
0x3d: {  	_ =	shalt  }
0x3e: {  	_ =	shalt  }
0x3f: {  	_ =	shalt  }
0x40: {  	_ =	shalt  }
0x41: {  	_ =	shalt  }
0x42: {  	_ =	shalt  }
0x43: {  	_ =	shalt  }
0x44: {  	_ =	shalt  }
0x45: {  	_ =	shalt  }
0x46: {  	_ =	shalt  }
0x47: {  	_ =	shalt  }
0x48: {  	_ =	shalt  }
0x49: {  	_ =	shalt  }
0x4a: {  	_ =	shalt  }
0x4b: {  	_ =	shalt  }
0x4c: {  	_ =	shalt  }
0x4d: {  	_ =	shalt  }
0x4e: {  	_ =	shalt  }
0x4f: {  	_ =	shalt  }
0x50: {  	_ =	shalt  }
0x51: {  	_ =	shalt  }
0x52: {  	_ =	shalt  }
0x53: {  	_ =	shalt  }
0x54: {  	_ =	shalt  }
0x55: {  	_ =	shalt  }
0x56: {  	_ =	shalt  }
0x57: {  	_ =	shalt  }
0x58: {  	_ =	shalt  }
0x59: {  	_ =	shalt  }
0x5a: {  	_ =	shalt  }
0x5b: {  	_ =	shalt  }
0x5c: {  	_ =	shalt  }
0x5d: {  	_ =	shalt  }
0x5e: {  	_ =	shalt  }
0x5f: {  	_ =	shalt  }
0x60: {  	_ =	shalt  }
0x61: {  	_ =	shalt  }
0x62: {  	_ =	shalt  }
0x63: {  	_ =	shalt  }
0x64: {  	_ =	shalt  }
0x65: {  	_ =	shalt  }
0x66: {  	_ =	shalt  }
0x67: {  	_ =	shalt  }
0x68: {  	_ =	shalt  }
0x69: {  	_ =	shalt  }
0x6a: {  	_ =	shalt  }
0x6b: {  	_ =	shalt  }
0x6c: {  	_ =	shalt  }
0x6d: {  	_ =	shalt  }
0x6e: {  	_ =	shalt  }
0x6f: {  	_ =	shalt  }
0x70: {  	_ =	shalt  }
0x71: {  	_ =	shalt  }
0x72: {  	_ =	shalt  }
0x73: {  	_ =	shalt  }
0x74: {  	_ =	shalt  }
0x75: {  	_ =	shalt  }
0x76: {  	_ =	shalt  }
0x77: {  	_ =	shalt  }
0x78: {  	_ =	shalt  }
0x79: {  	_ =	shalt  }
0x7a: {  	_ =	shalt  }
0x7b: {  	_ =	shalt  }
0x7c: {  	_ =	shalt  }
0x7d: {  	_ =	shalt  }
0x7e: {  	_ =	shalt  }
0x7f: {  	_ =	shalt  }
0x80: {  	_ =	shalt  }
0x81: {  	_ =	shalt  }
0x82: {  	_ =	shalt  }
0x83: {  	_ =	shalt  }
0x84: {  	_ =	shalt  }
0x85: {  	_ =	shalt  }
0x86: {  	_ =	shalt  }
0x87: {  	_ =	shalt  }
.Lfunc_end0:
.L_simem_size_0:
called_computation.2_lowered:
.L_overlay_start_0:
0x88: {  	s2 =	sld [smem:$0x3FD9]  }
0x89: {  	s3 =	sld [smem:$0x3FFE];
	_ =	sdelay $0x1  }
0x8a: {  	s1 =	srdreg.scid  }
0x8b: {  	s0 =	sand.u32 $0x1, s1  }
0x8c: {  	s17 =	sshll.u32 s0, $0xA;
	s2 =	sadd.s32 s3, s2  }
0x8d: {  	s2 =	sadd.s32 s2, s17  }
0x8e: {  	[smem:$0x3FC2] =	sst s2  }
0x8f: {  	_ = 	snop  }
0x90: {  	s2 =	sld [smem:$0x3FC6]  }
0x91: {  	s18 =	sld [smem:$0x3FD0];
	(tm) =	ssettm $0x1  }
0x92: {  	s4 =	sld [smem:$0x3FFB];
	_ =	sdelay $0x3  }
0x93: {  	_ =	strace s4  }
0x94: {  	s4 =	sld [smem:$0x3FFC];
	_ =	sdelay $0x3  }
0x95: {  	_ =	strace s4  }
0x96: {  	s4 =	sld [smem:$0x3FFD];
	_ =	sdelay $0x3  }
0x97: {  	_ =	strace s4  }
0x98: {  	_ =	strace $0x8FFFFFFF  }
0x99: {  	s19 =	sld [smem:$0x3FDB];
	_ =	sdelay $0x1  }
0x9a: {  	s5 =	simm.s32 $_scs_section_size  }
0x9b: {  	s6 =	simm.s32 $_size__tile_overlayer_lowered;
	s7 =	simm.s32 $_tile_overlayer_lowered  }
0x9c: {  	s22 =	simm.s32 $0x1BFF;
	s21 =	sshll.u32 s7, $0x1;
	s4 =	sadd.s32 s5, s19  }
0x9d: {  	s8 =	simm.s32 $0x0;
	s20 =	sshll.u32 s6, $0x1;
	s6 =	sadd.s32 s21, s4  }
0x9e: {  	[timem:s8], [sflag:s22] =	dma.local [hbm:s6], s20  }
0x9f: {  	_ =	swait.ge [sflag:s22], s20  }
0xa0: {  	s5 =	ssub.s32 $0x0, s20;
	[sflag:s22] =	ssyncset.done $0x0  }
0xa1: {  	[sflag:s22] =	ssyncadd.s32 s5;
	_ =	sdelay $0x1  }
0xa2: {  	s23 =	simm.s32 $0x1B8B  }
0xa3: {  	_ =	swait.ge [sflag:s23], $0x1  }
0xa4: {  	[sflag:s23] =	ssyncset.done $0x0  }
0xa5: {  	s25 =	simm.s32 $0x1B8E;
	s24 =	sld [smem:$0x3FFE];
	[sflag:s23] =	ssyncadd.s32 $0xFFFFFFFF  }
0xa6: {  	s26 =	simm.s32 $execute0_lowered;
	[smem:$0x3FD2] =	sst s25  }
0xa7: {  	s6 =	sshll.u32 s26, $0x1;
	_ =	strace $0x8000004C;
	[dreg:$0x1] =	wrdreg $0xFFFFFFFF  }
0xa8: {  	s28 =	simm.s32 $_size_execute0_lowered;
	s4 =	sadd.s32 s4, s6;
	[dreg:$0x0] =	wrdreg $0x0  }
0xa9: {  	s6 =	sshll.u32 s28, $0x1;
	[dreg:$0x2] =	wrdreg s4  }
0xaa: {  	[dreg:$0x3] =	wrdreg s6  }
0xab: {  	[dreg:$0x4] =	wrdreg $0xC0  }
0xac: {  	_ =	task [dreg:s8], $0x5FFFF  }
0xad: {  	[dreg:$0x1] =	wrdreg $0xFFFFFFFF  }
0xae: {  	[dreg:$0x0] =	wrdreg $0x60  }
0xaf: {  	[dreg:$0x2] =	wrdreg s24  }
0xb0: {  	[dreg:$0x3] =	wrdreg s18  }
0xb1: {  	[dreg:$0x4] =	wrdreg s2  }
0xb2: {  	[dreg:$0x5] =	wrdreg $0x198100  }
0xb3: {  	[dreg:$0x6] =	wrdreg $0x9  }
0xb4: {  	_ =	task.clear_ibuf [dreg:s8], $0x7FFFF;
	_ =	strace $0x9000004C  }
0xb5: {  	s29 =	simm.s32 $0x9;
	_ =	strace $0x8000004E  }
0xb6: {  	_ =	swait.ge [sflag:s29], $0x1  }
0xb7: {  	[sflag:s29] =	ssyncadd.s32 $0xFFFFFFFF  }
0xb8: {  	_ =	strace $0x9000004E  }
0xb9: {  	_ =	sfence  }
0xba: {  	s30 =	sld [smem:$0x0];
	_ =	sdelay $0x2  }
0xbb: {  	s31 =	sshll.u32 s1, $0xD;
	s1 =	sshrl.u32 s1, $0x2  }
0xbc: {  	s3 =	sand.u32 $0x4000, s31;
	s1 =	sadd.s32 s1, s30  }
0xbd: {  	s0 =	sor.u32 s3, s0;
	s1 =	sshll.u32 s1, $0x11  }
0xbe: {  	s0 =	sor.u32 s1, s0  }
0xbf: {  	s0 =	sadd.s32 $0x8F2B, s0  }
0xc0: {  	[sflag:s0] =	ssyncadd.remote.s32 $0x1  }
0xc1: {  	_ =	sfence.sel $0xFFFF  }
0xc2: {  	[dreg:$0x0] =	wrdreg $0xFFFFFFFF;
	(pc) =	sbr.abs _section_cstart, $3  }
0xc3: {  	[dreg:$0x1] =	wrdreg $0xFFFFFFFF  }
0xc4: {  	_ =	task.clear_ibuf [dreg:s8], $0x2FFFF;
	_ =	strace $0x9FFFFFFF  }
0xc5: {  	(tm) =	ssettm $0x7FFFFFFF  }
tec
execute0_lowered:
.L_overlay_start_1:
0x0: {  	(tag) =	ssettag $0x1  }
0x1: {  	s0 =	srdreg.scid;
	s1 =	rddreg [dreg:$0x0]  }
0x2: {  	s4 =	stileid.u32;
	s11 =	rddreg [dreg:$0x1]  }
0x3: {  	s3 =	rddreg [dreg:$0x3];
	s17 =	simm.s32 $0x5;
	s22 =	simm.s32 $0x1  }
0x4: {  	s23 =	simm.s32 $0x2800;
	s24 =	simm.s32 $0x17000;
	s25 =	simm.s32 $0x400  }
0x5: {  	s26 =	simm.s32 $0x5000;
	s28 =	simm.s32 $0x9000;
	s29 =	simm.s32 $0x2  }
0x6: {  	s30 =	simm.s32 $0x4;
	s31 =	simm.s32 $0x3;
	s19 =	simm.s32 $0x2000  }
0x7: {  	s20 =	simm.s32 $0x2400;
	s0 =	sand.u32 $0x1, s0;
	s13 =	smul.u32 $0x2800, s4  }
0x8: {  	s21 =	simm.s32 $0x4800;
	s2 =	sshll.u32 s0, $0x4;
	s5 =	smul.u32 $0x28000, s0  }
0x9: {  	s0 =	ssub.s32 $0x2, s0;
	s2 =	sor.u32 s4, s2;
	s4 =	simm.s32 $0x0  }
0xa: {  	s12 =	sshrl.u32 s13, $0x3;
	s6 =	sshrl.u32 s0, $0x1;
	s2 =	smul.u32 $0x500, s2  }
0xb: {  	[smem:$0x7FF] =	sst s4;
	s5 =	sadd.s32 s13, s5;
	s9 =	sadd.s32 s12, s1  }
0xc: {  	s0 =	ssub.s32 s0, s6;
	s13 =	sadd.s32 s13, s3;
	_ =	strace $0x8000004D  }
0xd: {  	s5 =	sshrl.u32 s5, $0x3;
	s6 =	sadd.s32 $0x13400, s9;
	s7 =	sadd.s32 $0x18400, s9  }
0xe: {  	s8 =	sadd.s32 $0xE400, s9;
	s9 =	sadd.s32 $0x1D400, s9;
	s15 =	smax.u32 s0, $0x1  }
0xf: {  	s10 =	sadd.s32 s2, s1;
	s14 =	sadd.s32 s5, s1;
	s5 =	sadd.s32 $0x22400, s1  }
0x10: {  	s11 =	sadd.s32 s11, s2;
	s1 =	simm.s32 $0x4C00;
	s2 =	simm.s32 $0x0  }
0x11: {  	s10 =	sadd.s32 $0x4400, s10;
	s12 =	sadd.s32 s5, s12;
	s14 =	sadd.s32 $0x27400, s14  }
.LBB2_1:
0x12: {  	s0 =	simm.s32 $0xD000  }
0x13: {  	[tilespmem:s0], [sflag:$0x5] =	stream.linear.gather [hbm4b:s6+s4], $0x2800, $0x38;
	[tilespmem:$0x1C010] =	vst v63  }
0x14: {  	_ =	swait.ge [sflag:s17], $0x2800  }
0x15: {  	[sflag:s17] =	ssyncset.done $0x0  }
0x16: {  	s16 =	simm.s32 $0xF800;
	[sflag:s17] =	ssyncadd.s32 $0xFFFFD800  }
0x17: {  	[tilespmem:s16], [sflag:$0x5] =	stream.linear.gather [hbm4b:s7+s4], $0x2800, $0x38;
	[tilespmem:$0x1C010] =	vst v63  }
0x18: {  	_ =	swait.ge [sflag:s17], $0x2800  }
0x19: {  	[sflag:s17] =	ssyncset.done $0x0  }
0x1a: {  	s18 =	simm.s32 $0x12000;
	[sflag:s17] =	ssyncadd.s32 $0xFFFFD800  }
0x1b: {  	[tilespmem:s18], [sflag:$0x5] =	stream.linear.gather [hbm4b:s8+s4], $0x2800, $0x38;
	[tilespmem:$0x1C010] =	vst v63  }
0x1c: {  	_ =	swait.ge [sflag:s17], $0x2800  }
0x1d: {  	[sflag:s17] =	ssyncset.done $0x0  }
0x1e: {  	s16 =	simm.s32 $0x14800;
	[sflag:s17] =	ssyncadd.s32 $0xFFFFD800  }
0x1f: {  	[tilespmem:s16], [sflag:$0x5] =	stream.linear.gather [hbm4b:s9+s4], $0x2800, $0x38;
	[tilespmem:$0x1C010] =	vst v63  }
0x20: {  	_ =	swait.ge [sflag:s17], $0x2800  }
0x21: {  	[sflag:s17] =	ssyncset.done $0x0  }
0x22: {  	[sflag:s17] =	ssyncadd.s32 $0xFFFFD800  }
0x23: {  	s16 =	simm.s32 $0x19800;
	s18 =	rddreg [dreg:$0x2]  }
0x24: {  	[tilespmem:s16], [sflag:$0x5] =	stream.linear.gather [hbm4b:s18+s4], $0x10, $0x38;
	[tilespmem:$0x1C010] =	vst v63  }
0x25: {  	_ =	swait.ge [sflag:s17], $0x10  }
0x26: {  	[sflag:s17] =	ssyncset.done $0x0  }
0x27: {  	[sflag:s17] =	ssyncadd.s32 $0xFFFFFFF0  }
0x28: {  	[tilespmem:s4], [sflag:$0x1] =	stream.linear.gather [hbm4b:s10+s4], $0x2800, $0x38;
	[tilespmem:$0x1C010] =	vst v63  }
0x29: {  	_ =	swait.ge [sflag:s22], $0x2800  }
0x2a: {  	[sflag:s22] =	ssyncset.done $0x0  }
0x2b: {  	[sflag:s22] =	ssyncadd.s32 $0xFFFFD800  }
0x2c: {  	[tilespmem:s23], [sflag:$0x1] =	stream.linear.gather [hbm4b:s11+s4], $0x2800, $0x38;
	[tilespmem:$0x1C010] =	vst v63  }
0x2d: {  	_ =	swait.ge [sflag:s22], $0x2800  }
0x2e: {  	[sflag:s22] =	ssyncset.done $0x0  }
0x2f: {  	s0 =	simm.s32 $0x0;
	[sflag:s22] =	ssyncadd.s32 $0xFFFFD800  }
0x30: {  	v1 =	vld [tilespmem:s0+$0xD000]  }
0x31: {  	v2 =	vld [tilespmem:s0+$0xF800];
	_ =	sdelay $0x1  }
0x32: {  	v3 =	vld [tilespmem:s0+$0x12000];
	_ =	sdelay $0x1  }
0x33: {  	v0 =	vld [tilespmem:s0+$0x14800]  }
0x34: {  	v1 =	vadd.f32 v2, v1  }
0x35: {  	v2 =	vld [tilespmem:$0x19800]  }
0x36: {  	v1 =	vsub.f32 v1, v3;
	_ =	sdelay $0x1  }
0x37: {  	s16 =	simm.s32 $0x10;
	v3 =	vmul.f32 v1, v0  }
0x38: {  	s18 =	simm.s32 $0x80;
	v1 =	vld [tilespmem:s16+$0xD000]  }
.LBB2_2:
0x39: {  	p0 =	sne.s32 s18, $0x9FC0;
	v4 =	vld [tilespmem:s16+$0xF800];
	v2 =	vadd.f32 v3, v2;
	_ =	sdelay $0x1  }
0x3a: {  	v3 =	vld [tilespmem:s16+$0x12000];
	v2 =	vmax.f32 v2, $0.0e+00  }
0x3b: {  	v2 =	vmul.f32 v2, v0  }
0x3c: {  	v0 =	vld [tilespmem:s16+$0x14800]  }
0x3d: {  	v1 =	vadd.f32 v4, v1;
	[tilespmem:s0+$0x17000] =	vst v2;
	s0 =	smov.u32 s16  }
.Ltmp0:
0x3e: {  	v2 =	vld [tilespmem:$0x19800];
	(pc) =	sbr.rel @p0 .LBB2_2-.Ltmp0, $3  }
0x3f: {  	v1 =	vsub.f32 v1, v3;
	_ =	sdelay $0x1  }
0x40: {  	s16 =	sshra.s32 s18, $0x2;
	v3 =	vmul.f32 v1, v0  }
0x41: {  	s18 =	sadd.s32 $0x40, s18;
	v1 =	vld [tilespmem:s16+$0xD000]  }
0x42: {  	v4 =	vld [tilespmem:s16+$0xF800];
	v2 =	vadd.f32 v3, v2;
	_ =	sdelay $0x1  }
0x43: {  	v62 =	vld [tilespmem:s16+$0x12000];
	v2 =	vmax.f32 v2, $0.0e+00  }
0x44: {  	v0 =	vmul.f32 v2, v0  }
0x45: {  	v63 =	vld [tilespmem:s16+$0x14800]  }
0x46: {  	v1 =	vadd.f32 v4, v1;
	[tilespmem:s0+$0x17000] =	vst v0  }
0x47: {  	v0 =	vld [tilespmem:$0x19800]  }
0x48: {  	v1 =	vsub.f32 v1, v62;
	_ =	sdelay $0x1  }
0x49: {  	v1 =	vmul.f32 v1, v63;
	_ =	sdelay $0x1  }
0x4a: {  	v0 =	vadd.f32 v1, v0;
	_ =	sdelay $0x1  }
0x4b: {  	v0 =	vmax.f32 v0, $0.0e+00  }
0x4c: {  	v0 =	vmul.f32 v0, v63;
	_ =	sdelay $0x1  }
0x4d: {  	[tilespmem:s16+$0x17000] =	vst v0  }
0x4e: {  	[hbm4b:s12+s4] =	stream.linear.scatter [tilespmem:s24], [sflag:$0x5], $0x2800, $0x38;
	[tilespmem:$0x1C010] =	vst v63  }
0x4f: {  	_ =	swait.ge [sflag:s17], $0x2800  }
0x50: {  	[sflag:s17] =	ssyncset.done $0x0  }
0x51: {  	[sflag:s17] =	ssyncadd.s32 $0xFFFFD800  }
0x52: {  	[spmem:s13] =	stream.linear.scatter [tilespmem:s24], [sflag:$0x5], $0x2800, $0x38;
	[tilespmem:$0x1C010] =	vst v63  }
0x53: {  	_ =	swait.ge [sflag:s17], $0x2800  }
0x54: {  	[sflag:s17] =	ssyncset.done $0x0  }
0x55: {  	[sflag:s17] =	ssyncadd.s32 $0xFFFFD800  }
0x56: {  	[bflag:$0x0] =	sbarrier.arrive $0xFFFF  }
0x57: {  	[tilespmem:s26], [sflag:$0x2] =	stream.indirect.gather [hbm4b:s5+s25], $0x10, s4, s25, $0xb8;
	[tilespmem:$0x1C010] =	vst v63  }
0x58: {  	_ = 	snop  }
0x59: {  	[tilespmem:s28], [sflag:$0x3] =	stream.indirect.gather [hbm4b:s5+s25], $0x10, s25, s25, $0xb8;
	[tilespmem:$0x1C010] =	vst v63  }
0x5a: {  	_ =	swait.ge [sflag:s29], $0x4000  }
0x5b: {  	[sflag:s29] =	ssyncset.done $0x0  }
0x5c: {  	[sflag:s29] =	ssyncadd.s32 $0xFFFFC000  }
0x5d: {  	[spmem:s3] =	stream.indirect.scatter.add.f32 [tilespmem:s26], [sflag:$0x4], $0x10, s23, s25, $0xb8;
	[tilespmem:$0x1C010] =	vst v63  }
0x5e: {  	_ =	swait.ge [sflag:s30], $0x4000  }
0x5f: {  	[sflag:s30] =	ssyncset.done $0x0  }
0x60: {  	[sflag:s30] =	ssyncadd.s32 $0xFFFFC000  }
0x61: {  	_ =	swait.ge [sflag:s31], $0x4000  }
0x62: {  	[sflag:s31] =	ssyncset.done $0x0  }
0x63: {  	s18 =	simm.s32 $0x2C00;
	[sflag:s31] =	ssyncadd.s32 $0xFFFFC000  }
0x64: {  	[spmem:s3] =	stream.indirect.scatter.add.f32 [tilespmem:s28], [sflag:$0x4], $0x10, s18, s25, $0xb8;
	[tilespmem:$0x1C010] =	vst v63  }
0x65: {  	_ =	swait.ge [sflag:s30], $0x4000  }
0x66: {  	[sflag:s30] =	ssyncset.done $0x0  }
0x67: {  	s16 =	simm.s32 $0x800;
	[sflag:s30] =	ssyncadd.s32 $0xFFFFC000  }
0x68: {  	[tilespmem:s26], [sflag:$0x2] =	stream.indirect.gather [hbm4b:s5+s25], $0x10, s16, s25, $0xb8;
	[tilespmem:$0x1C010] =	vst v63  }
0x69: {  	s18 =	simm.s32 $0xC00  }
0x6a: {  	[tilespmem:s28], [sflag:$0x3] =	stream.indirect.gather [hbm4b:s5+s25], $0x10, s18, s25, $0xb8;
	[tilespmem:$0x1C010] =	vst v63  }
0x6b: {  	_ =	swait.ge [sflag:s29], $0x4000  }
0x6c: {  	[sflag:s29] =	ssyncset.done $0x0  }
0x6d: {  	s16 =	simm.s32 $0x3000;
	[sflag:s29] =	ssyncadd.s32 $0xFFFFC000  }
0x6e: {  	[spmem:s3] =	stream.indirect.scatter.add.f32 [tilespmem:s26], [sflag:$0x4], $0x10, s16, s25, $0xb8;
	[tilespmem:$0x1C010] =	vst v63  }
0x6f: {  	_ =	swait.ge [sflag:s30], $0x4000  }
0x70: {  	[sflag:s30] =	ssyncset.done $0x0  }
0x71: {  	[sflag:s30] =	ssyncadd.s32 $0xFFFFC000  }
0x72: {  	_ =	swait.ge [sflag:s31], $0x4000  }
0x73: {  	[sflag:s31] =	ssyncset.done $0x0  }
0x74: {  	s18 =	simm.s32 $0x3400;
	[sflag:s31] =	ssyncadd.s32 $0xFFFFC000  }
0x75: {  	[spmem:s3] =	stream.indirect.scatter.add.f32 [tilespmem:s28], [sflag:$0x4], $0x10, s18, s25, $0xb8;
	[tilespmem:$0x1C010] =	vst v63  }
0x76: {  	_ =	swait.ge [sflag:s30], $0x4000  }
0x77: {  	[sflag:s30] =	ssyncset.done $0x0  }
0x78: {  	s16 =	simm.s32 $0x1000;
	[sflag:s30] =	ssyncadd.s32 $0xFFFFC000  }
0x79: {  	[tilespmem:s26], [sflag:$0x2] =	stream.indirect.gather [hbm4b:s5+s25], $0x10, s16, s25, $0xb8;
	[tilespmem:$0x1C010] =	vst v63  }
0x7a: {  	s18 =	simm.s32 $0x1400  }
0x7b: {  	[tilespmem:s28], [sflag:$0x3] =	stream.indirect.gather [hbm4b:s5+s25], $0x10, s18, s25, $0xb8;
	[tilespmem:$0x1C010] =	vst v63  }
0x7c: {  	_ =	swait.ge [sflag:s29], $0x4000  }
0x7d: {  	[sflag:s29] =	ssyncset.done $0x0  }
0x7e: {  	s16 =	simm.s32 $0x3800;
	[sflag:s29] =	ssyncadd.s32 $0xFFFFC000  }
0x7f: {  	[spmem:s3] =	stream.indirect.scatter.add.f32 [tilespmem:s26], [sflag:$0x4], $0x10, s16, s25, $0xb8;
	[tilespmem:$0x1C010] =	vst v63  }
0x80: {  	_ =	swait.ge [sflag:s30], $0x4000  }
0x81: {  	[sflag:s30] =	ssyncset.done $0x0  }
0x82: {  	[sflag:s30] =	ssyncadd.s32 $0xFFFFC000  }
0x83: {  	_ =	swait.ge [sflag:s31], $0x4000  }
0x84: {  	[sflag:s31] =	ssyncset.done $0x0  }
0x85: {  	s18 =	simm.s32 $0x3C00;
	[sflag:s31] =	ssyncadd.s32 $0xFFFFC000  }
0x86: {  	[spmem:s3] =	stream.indirect.scatter.add.f32 [tilespmem:s28], [sflag:$0x4], $0x10, s18, s25, $0xb8;
	[tilespmem:$0x1C010] =	vst v63  }
0x87: {  	_ =	swait.ge [sflag:s30], $0x4000  }
0x88: {  	[sflag:s30] =	ssyncset.done $0x0  }
0x89: {  	s16 =	simm.s32 $0x1800;
	[sflag:s30] =	ssyncadd.s32 $0xFFFFC000  }
0x8a: {  	[tilespmem:s26], [sflag:$0x2] =	stream.indirect.gather [hbm4b:s5+s25], $0x10, s16, s25, $0xb8;
	[tilespmem:$0x1C010] =	vst v63  }
0x8b: {  	s18 =	simm.s32 $0x1C00  }
0x8c: {  	[tilespmem:s28], [sflag:$0x3] =	stream.indirect.gather [hbm4b:s5+s25], $0x10, s18, s25, $0xb8;
	[tilespmem:$0x1C010] =	vst v63  }
0x8d: {  	_ =	swait.ge [sflag:s29], $0x4000  }
0x8e: {  	[sflag:s29] =	ssyncset.done $0x0  }
0x8f: {  	s16 =	simm.s32 $0x4000;
	[sflag:s29] =	ssyncadd.s32 $0xFFFFC000  }
0x90: {  	[spmem:s3] =	stream.indirect.scatter.add.f32 [tilespmem:s26], [sflag:$0x4], $0x10, s16, s25, $0xb8;
	[tilespmem:$0x1C010] =	vst v63  }
0x91: {  	_ =	swait.ge [sflag:s30], $0x4000  }
0x92: {  	[sflag:s30] =	ssyncset.done $0x0  }
0x93: {  	[sflag:s30] =	ssyncadd.s32 $0xFFFFC000  }
0x94: {  	_ =	swait.ge [sflag:s31], $0x4000  }
0x95: {  	[sflag:s31] =	ssyncset.done $0x0  }
0x96: {  	s18 =	simm.s32 $0x4400;
	[sflag:s31] =	ssyncadd.s32 $0xFFFFC000  }
0x97: {  	[spmem:s3] =	stream.indirect.scatter.add.f32 [tilespmem:s28], [sflag:$0x4], $0x10, s18, s25, $0xb8;
	[tilespmem:$0x1C010] =	vst v63  }
0x98: {  	_ =	swait.ge [sflag:s30], $0x4000  }
0x99: {  	[sflag:s30] =	ssyncset.done $0x0  }
0x9a: {  	[sflag:s30] =	ssyncadd.s32 $0xFFFFC000  }
0x9b: {  	[tilespmem:s26], [sflag:$0x2] =	stream.indirect.gather [hbm4b:s5+s25], $0x10, s19, s25, $0xb8;
	[tilespmem:$0x1C010] =	vst v63  }
0x9c: {  	_ = 	snop  }
0x9d: {  	[tilespmem:s28], [sflag:$0x3] =	stream.indirect.gather [hbm4b:s5+s25], $0x10, s20, s25, $0xb8;
	[tilespmem:$0x1C010] =	vst v63  }
0x9e: {  	_ =	swait.ge [sflag:s29], $0x4000  }
0x9f: {  	[sflag:s29] =	ssyncset.done $0x0  }
0xa0: {  	[sflag:s29] =	ssyncadd.s32 $0xFFFFC000  }
0xa1: {  	[spmem:s3] =	stream.indirect.scatter.add.f32 [tilespmem:s26], [sflag:$0x4], $0x10, s21, s25, $0xb8;
	[tilespmem:$0x1C010] =	vst v63  }
0xa2: {  	_ =	swait.ge [sflag:s30], $0x4000  }
0xa3: {  	[sflag:s30] =	ssyncset.done $0x0  }
0xa4: {  	[sflag:s30] =	ssyncadd.s32 $0xFFFFC000  }
0xa5: {  	_ =	swait.ge [sflag:s31], $0x4000  }
0xa6: {  	[sflag:s31] =	ssyncset.done $0x0  }
0xa7: {  	[sflag:s31] =	ssyncadd.s32 $0xFFFFC000  }
0xa8: {  	[spmem:s3] =	stream.indirect.scatter.add.f32 [tilespmem:s28], [sflag:$0x4], $0x10, s1, s25, $0xb8;
	[tilespmem:$0x1C010] =	vst v63  }
0xa9: {  	s16 =	stileid.u32;
	_ =	swait.ge [sflag:s30], $0x4000  }
0xaa: {  	s2 =	sadd.s32 $0x1, s2;
	s0 =	sshll.u32 s16, $0x6;
	[sflag:s30] =	ssyncset.done $0x0  }
0xab: {  	p0 =	sne.s32 s2, s15;
	s0 =	sor.u32 $0x1C05, s0;
	[sflag:s30] =	ssyncadd.s32 $0xFFFFC000  }
.Ltmp1:
0xac: {  	s18 =	sshrl.u32 s13, $0x3;
	[bflag:$0x0] =	sbarrier.arrive $0xFFFF;
	(pc) =	sbr.rel @p0 .LBB2_1-.Ltmp1, $4  }
0xad: {  	[hbm:s14], [sflag:s0] =	dma.local [spmem:s18], $0x500  }
0xae: {  	_ =	swait.ge [sflag:s17], $0x500  }
0xaf: {  	[sflag:s17] =	ssyncset.done $0x0  }
0xb0: {  	[sflag:s17] =	ssyncadd.s32 $0xFFFFFB00  }
0xb1: {  	_ =	sfence.sel $0x180000  }
0xb2: {  	[bflag:$0x0] =	sbarrier.arrive $0xFFFF  }
0xb3: {  	_ =	strace $0x9000004D  }
0xb4: {  	s0 =	stileid.u32;
	[bflag:$0x2] =	sbarrier.arrive $0xFFFF  }
0xb5: {  	p0 =	sne.s32 s0, $0x0;
	s0 =	rddreg [dreg:$0x4]  }
0xb6: {  	s0 =	sadd.s32 @!p0 $0x100000, s0  }
0xb7: {  	[sflag:s0] =	ssyncadd.tile.s32 @!p0 $0x1;
	_ =	shalt  }
.Lfunc_end2:
_tile_overlayer_lowered:
.L_overlay_start_2:
0xb8: {  	(tag) =	ssettag $0x2  }
0xb9: {  	s0 =	rddreg [dreg:$0x0];
	s2 =	stileid.u32  }
0xba: {  	s1 =	rddreg [dreg:$0x1];
	p0 =	sne.s32 s2, $0x0  }
0xbb: {  	s3 =	rddreg [dreg:$0x2];
	[bflag:$0x3] =	sbarrier.arrive $0xFFFF;
	s2 =	simm.s32 @!p0 $0x1C05  }
0xbc: {  	[timem:s3], [sflag:s2] =	dma.local @!p0 [hbm:s0], s1  }
0xbd: {  	s0 =	simm.s32 @!p0 $0x5  }
0xbe: {  	_ =	swait.ge @!p0 [sflag:s0], s1  }
0xbf: {  	s1 =	ssub.s32 @!p0 $0x0, s1;
	[sflag:s0] =	ssyncset.done @!p0 $0x0  }
0xc0: {  	[sflag:s0] =	ssyncadd.s32 @!p0 s1  }
0xc1: {  	[bflag:$0x3] =	sbarrier.arrive $0xFFFF  }
0xc2: {  	_ =	shalt  }

// kernel: kernel.7.cloned.1.call-start
scs
__scs_entry_jumppad:
0x0: {  	(pc) =	sbr.rel $0x88, $3  }
0x1: {  	(tag) =	ssettag $0x0;
	lr =	simm.s32 $0x1  }
0x2: {  	[smem:$0x3F9B] =	sst lr;
	_ =	strace $0xD0000000  }
0x3: {  	_ = 	snop  }
0x4: {  	_ = 	snop  }
0x5: {  	_ = 	snop  }
0x6: {  	_ = 	snop  }
0x7: {  	_ = 	snop  }
__scs_overlays_trampoline_lowered:
0x8: {  	[smem:$0x3FAA] =	sst s0  }
0x9: {  	[smem:$0x3FAB] =	sst s1  }
0xa: {  	[smem:$0x3FAC] =	sst s2  }
0xb: {  	[smem:$0x3FAD] =	sst s3  }
0xc: {  	[smem:$0x3FAE] =	sst s4  }
0xd: {  	[smem:$0x3FAF] =	sst s5  }
0xe: {  	[smem:$0x3FB0] =	sst s6  }
0xf: {  	[smem:$0x3FB1] =	sst s7  }
0x10: {  	[smem:$0x3FB2] =	sst s8  }
0x11: {  	[smem:$0x3FB3] =	sst s9;
	s0 =	simm.s32 @!p0 $0x0  }
0x12: {  	s1 =	sld [smem:$0x3F99];
	s0 =	simm.s32 @p0 $0x1  }
0x13: {  	[smem:$0x3FB4] =	sst s0;
	s0 =	simm.s32 @!p1 $0x0  }
0x14: {  	s2 =	sld [smem:$0x3F98];
	s0 =	simm.s32 @p1 $0x1  }
0x15: {  	[smem:$0x3FB5] =	sst s0;
	s0 =	simm.s32 @!p2 $0x0  }
0x16: {  	s3 =	sld [smem:$0x3FDB];
	s0 =	simm.s32 @p2 $0x1  }
0x17: {  	s4 =	simm.s32 $0x1BF5;
	[smem:$0x3FB7] =	sst s0  }
0x18: {  	s0 =	sld [smem:$0x3F9A];
	_ =	swait.ge [sflag:s4], $0x0  }
0x19: {  	s7 =	sld [smem:$0x3F9B]  }
0x1a: {  	s8 =	sadd.s32 $0xFFFFE003, lr  }
0x1b: {  	s9 =	sadd.s32 $0xFFFFFEF7, lr;
	s5 =	simm.s32 $0xFFFFFFFF;
	p2 =	slt.u32 s8, $0xFFFFF086  }
0x1c: {  	p1 =	slt.u32 s9, $0xF7A;
	s5 =	simm.s32 @!p2 $0x0  }
0x1d: {  	s5 =	simm.s32 @p1 $0x1;
	p0 =	seq.s32 s7, s2  }
0x1e: {  	s7 =	smul.u32 @!p0 $0xF7A, s2;
	p2 =	seq.s32 @!p0 s5, $0x0  }
0x1f: {  	s9 =	smul.u32 $0xF7A, s1;
	s8 =	simm.s32 @!p0 $0x1BF5;
	p2 =	por !p2, p0  }
0x20: {  	[sflag:s8] =	ssyncset.s32 @!p0 $0xFFFFF086;
	s6 =	sadd.s32 @!p0 s3, s7;
	s7 =	simm.s32 @!p0 $0x108  }
0x21: {  	s3 =	sadd.s32 s3, s9;
	s6 =	sadd.s32 @!p0 $0x88, s6;
	s7 =	simm.s32 @p2 $0x1082  }
0x22: {  	[simem:s7], [sflag:s8] =	dma.local @!p0 [hbm:s6], $0xF7A  }
0x23: {  	s9 =	sor.u32 $0xD0000000, s2;
	s6 =	simm.s32 $0x108;
	_ =	swait.ge @!p0 [sflag:s8], $0x0  }
0x24: {  	s3 =	sadd.s32 $0x88, s3;
	s6 =	simm.s32 @!p1 $0x1082;
	[sflag:s4] =	ssyncset.s32 $0xFFFFF086  }
0x25: {  	[simem:s6], [sflag:s4] =	dma.local [hbm:s3], $0xF7A  }
0x26: {  	[smem:$0x3F9B] =	sst s1;
	(tag) =	ssettag s2;
	_ =	strace s9  }
0x27: {  	s1 =	sld [smem:$0x3FAB]  }
0x28: {  	s2 =	sld [smem:$0x3FAC]  }
0x29: {  	s4 =	sld [smem:$0x3FAE]  }
0x2a: {  	p0 =	seq.s32 s5, $0x0;
	s5 =	sld [smem:$0x3FAF]  }
0x2b: {  	s6 =	sld [smem:$0x3FB0]  }
0x2c: {  	s7 =	sld [smem:$0x3FB1]  }
0x2d: {  	s3 =	simm.s32 $0x108;
	s8 =	sld [smem:$0x3FB2]  }
0x2e: {  	s3 =	simm.s32 @!p0 $0x1082;
	s9 =	sld [smem:$0x3FB3]  }
0x2f: {  	lr =	sadd.s32 s0, s3;
	s0 =	sld [smem:$0x3FAA]  }
0x30: {  	s3 =	sld [smem:$0x3FAD]  }
0x31: {  	[smem:$0x3FB6] =	sst s10  }
0x32: {  	s10 =	sld [smem:$0x3FB4];
	_ =	sdelay $0x3  }
0x33: {  	p0 =	seq.s32 s10, $0x1;
	s10 =	sld [smem:$0x3FB6];
	_ =	sdelay $0x3  }
0x34: {  	[smem:$0x3FB6] =	sst s10  }
0x35: {  	s10 =	sld [smem:$0x3FB5];
	_ =	sdelay $0x3  }
0x36: {  	p1 =	seq.s32 s10, $0x1;
	s10 =	sld [smem:$0x3FB6];
	_ =	sdelay $0x3  }
0x37: {  	[smem:$0x3FB6] =	sst s10  }
0x38: {  	s10 =	sld [smem:$0x3FB7]  }
0x39: {  	_ = 	snop;
	(pc) =	sbr.ind lr, $3  }
0x3a: {  	_ = 	snop  }
0x3b: {  	_ = 	snop  }
0x3c: {  	p2 =	seq.s32 s10, $0x1;
	s10 =	sld [smem:$0x3FB6]  }
0x3d: {  	_ =	shalt  }
0x3e: {  	_ =	shalt  }
0x3f: {  	_ =	shalt  }
0x40: {  	_ =	shalt  }
0x41: {  	_ =	shalt  }
0x42: {  	_ =	shalt  }
0x43: {  	_ =	shalt  }
0x44: {  	_ =	shalt  }
0x45: {  	_ =	shalt  }
0x46: {  	_ =	shalt  }
0x47: {  	_ =	shalt  }
0x48: {  	_ =	shalt  }
0x49: {  	_ =	shalt  }
0x4a: {  	_ =	shalt  }
0x4b: {  	_ =	shalt  }
0x4c: {  	_ =	shalt  }
0x4d: {  	_ =	shalt  }
0x4e: {  	_ =	shalt  }
0x4f: {  	_ =	shalt  }
0x50: {  	_ =	shalt  }
0x51: {  	_ =	shalt  }
0x52: {  	_ =	shalt  }
0x53: {  	_ =	shalt  }
0x54: {  	_ =	shalt  }
0x55: {  	_ =	shalt  }
0x56: {  	_ =	shalt  }
0x57: {  	_ =	shalt  }
0x58: {  	_ =	shalt  }
0x59: {  	_ =	shalt  }
0x5a: {  	_ =	shalt  }
0x5b: {  	_ =	shalt  }
0x5c: {  	_ =	shalt  }
0x5d: {  	_ =	shalt  }
0x5e: {  	_ =	shalt  }
0x5f: {  	_ =	shalt  }
0x60: {  	_ =	shalt  }
0x61: {  	_ =	shalt  }
0x62: {  	_ =	shalt  }
0x63: {  	_ =	shalt  }
0x64: {  	_ =	shalt  }
0x65: {  	_ =	shalt  }
0x66: {  	_ =	shalt  }
0x67: {  	_ =	shalt  }
0x68: {  	_ =	shalt  }
0x69: {  	_ =	shalt  }
0x6a: {  	_ =	shalt  }
0x6b: {  	_ =	shalt  }
0x6c: {  	_ =	shalt  }
0x6d: {  	_ =	shalt  }
0x6e: {  	_ =	shalt  }
0x6f: {  	_ =	shalt  }
0x70: {  	_ =	shalt  }
0x71: {  	_ =	shalt  }
0x72: {  	_ =	shalt  }
0x73: {  	_ =	shalt  }
0x74: {  	_ =	shalt  }
0x75: {  	_ =	shalt  }
0x76: {  	_ =	shalt  }
0x77: {  	_ =	shalt  }
0x78: {  	_ =	shalt  }
0x79: {  	_ =	shalt  }
0x7a: {  	_ =	shalt  }
0x7b: {  	_ =	shalt  }
0x7c: {  	_ =	shalt  }
0x7d: {  	_ =	shalt  }
0x7e: {  	_ =	shalt  }
0x7f: {  	_ =	shalt  }
0x80: {  	_ =	shalt  }
0x81: {  	_ =	shalt  }
0x82: {  	_ =	shalt  }
0x83: {  	_ =	shalt  }
0x84: {  	_ =	shalt  }
0x85: {  	_ =	shalt  }
0x86: {  	_ =	shalt  }
0x87: {  	_ =	shalt  }
.Lfunc_end0:
.L_simem_size_0:
called_computation_lowered:
.L_overlay_start_0:
0x88: {  	s2 =	sld [smem:$0x3FD9]  }
0x89: {  	s3 =	sld [smem:$0x3FFE];
	_ =	sdelay $0x1  }
0x8a: {  	s1 =	srdreg.scid  }
0x8b: {  	s0 =	sand.u32 $0x1, s1  }
0x8c: {  	s17 =	sshll.u32 s0, $0xA;
	s2 =	sadd.s32 s3, s2  }
0x8d: {  	s2 =	sadd.s32 s2, s17  }
0x8e: {  	[smem:$0x3FC2] =	sst s2  }
0x8f: {  	_ = 	snop  }
0x90: {  	s2 =	sld [smem:$0x3FD0];
	(tm) =	ssettm $0x1  }
0x91: {  	s18 =	sld [smem:$0x3FFB];
	_ =	sdelay $0x3  }
0x92: {  	_ =	strace s18  }
0x93: {  	s3 =	sld [smem:$0x3FFC];
	_ =	sdelay $0x3  }
0x94: {  	_ =	strace s3  }
0x95: {  	s3 =	sld [smem:$0x3FFD];
	_ =	sdelay $0x3  }
0x96: {  	_ =	strace s3  }
0x97: {  	_ =	strace $0x8FFFFFFF  }
0x98: {  	s19 =	sld [smem:$0x3FDB];
	_ =	sdelay $0x1  }
0x99: {  	s4 =	simm.s32 $_scs_section_size  }
0x9a: {  	s5 =	simm.s32 $_size__tile_overlayer_lowered;
	s6 =	simm.s32 $_tile_overlayer_lowered  }
0x9b: {  	s22 =	simm.s32 $0x1BFF;
	s21 =	sshll.u32 s6, $0x1;
	s3 =	sadd.s32 s4, s19  }
0x9c: {  	s7 =	simm.s32 $0x0;
	s20 =	sshll.u32 s5, $0x1;
	s5 =	sadd.s32 s21, s3  }
0x9d: {  	[timem:s7], [sflag:s22] =	dma.local [hbm:s5], s20  }
0x9e: {  	_ =	swait.ge [sflag:s22], s20  }
0x9f: {  	s4 =	ssub.s32 $0x0, s20;
	[sflag:s22] =	ssyncset.done $0x0  }
0xa0: {  	[sflag:s22] =	ssyncadd.s32 s4;
	_ =	sdelay $0x1  }
0xa1: {  	s23 =	simm.s32 $0x1B8B  }
0xa2: {  	_ =	swait.ge [sflag:s23], $0x1  }
0xa3: {  	[sflag:s23] =	ssyncset.done $0x0  }
0xa4: {  	s25 =	simm.s32 $0x1B8E;
	s24 =	sld [smem:$0x3FFE];
	[sflag:s23] =	ssyncadd.s32 $0xFFFFFFFF  }
0xa5: {  	s26 =	simm.s32 $execute0_lowered;
	[smem:$0x3FD2] =	sst s25  }
0xa6: {  	s5 =	sshll.u32 s26, $0x1;
	_ =	strace $0x80000046;
	[dreg:$0x1] =	wrdreg $0xFFFFFFFF  }
0xa7: {  	s28 =	simm.s32 $_size_execute0_lowered;
	s3 =	sadd.s32 s3, s5;
	[dreg:$0x0] =	wrdreg $0x0  }
0xa8: {  	s5 =	sshll.u32 s28, $0x1;
	[dreg:$0x2] =	wrdreg s3  }
0xa9: {  	[dreg:$0x3] =	wrdreg s5  }
0xaa: {  	[dreg:$0x4] =	wrdreg $0xC0  }
0xab: {  	_ =	task [dreg:s7], $0x5FFFF  }
0xac: {  	[dreg:$0x1] =	wrdreg $0xFFFFFFFF  }
0xad: {  	[dreg:$0x0] =	wrdreg $0x60  }
0xae: {  	[dreg:$0x2] =	wrdreg s2  }
0xaf: {  	[dreg:$0x3] =	wrdreg s24  }
0xb0: {  	[dreg:$0x4] =	wrdreg $0x48000  }
0xb1: {  	[dreg:$0x5] =	wrdreg $0x9  }
0xb2: {  	_ =	task.clear_ibuf [dreg:s7], $0x6FFFF;
	_ =	strace $0x90000046  }
0xb3: {  	s29 =	simm.s32 $0x9;
	_ =	strace $0x80000048  }
0xb4: {  	_ =	swait.ge [sflag:s29], $0x1  }
0xb5: {  	[sflag:s29] =	ssyncadd.s32 $0xFFFFFFFF  }
0xb6: {  	_ =	strace $0x90000048  }
0xb7: {  	_ =	sfence  }
0xb8: {  	s30 =	sld [smem:$0x0];
	_ =	sdelay $0x2  }
0xb9: {  	s31 =	sshll.u32 s1, $0xD;
	s1 =	sshrl.u32 s1, $0x2  }
0xba: {  	s3 =	sand.u32 $0x4000, s31;
	s1 =	sadd.s32 s1, s30  }
0xbb: {  	s0 =	sor.u32 s3, s0;
	s1 =	sshll.u32 s1, $0x11  }
0xbc: {  	s0 =	sor.u32 s1, s0  }
0xbd: {  	s0 =	sadd.s32 $0x8F2B, s0  }
0xbe: {  	[sflag:s0] =	ssyncadd.remote.s32 $0x1  }
0xbf: {  	_ =	sfence.sel $0xFFFF  }
0xc0: {  	[dreg:$0x0] =	wrdreg $0xFFFFFFFF;
	(pc) =	sbr.abs _section_cstart, $3  }
0xc1: {  	[dreg:$0x1] =	wrdreg $0xFFFFFFFF  }
0xc2: {  	_ =	task.clear_ibuf [dreg:s7], $0x2FFFF;
	_ =	strace $0x9FFFFFFF  }
0xc3: {  	(tm) =	ssettm $0x7FFFFFFF  }
tec
execute0_lowered:
.L_overlay_start_1:
0x0: {  	(tag) =	ssettag $0x1  }
0x1: {  	s10 =	rddreg [dreg:$0x0]  }
0x2: {  	s22 =	rddreg [dreg:$0x1]  }
0x3: {  	s2 =	rddreg [dreg:$0x2]  }
0x4: {  	s0 =	rddreg [dreg:$0x3]  }
0x5: {  	s3 =	simm.s32 $0x0;
	s1 =	stileid.u32;
	s9 =	srdreg.scid  }
0x6: {  	[smem:$0x7FF] =	sst s3;
	s23 =	smul.u32 $0x1400, s1  }
0x7: {  	s4 =	sadd.s32 $0x1C00, s22;
	s6 =	sshll.u32 s1, $0x6;
	_ =	strace $0x80000047  }
0x8: {  	s6 =	sor.u32 $0x1C03, s6;
	s5 =	sshrl.u32 s23, $0x3;
	s7 =	sadd.s32 s23, s2  }
0x9: {  	s5 =	sadd.s32 s4, s5;
	s8 =	sshrl.u32 s7, $0x3;
	s7 =	simm.s32 $0x3  }
0xa: {  	[spmem:s8], [sflag:s6] =	dma.local [hbm:s5], $0x280  }
0xb: {  	s24 =	sand.u32 $0x1, s9;
	_ =	swait.ge [sflag:s7], $0x280  }
0xc: {  	s9 =	sshll.u32 s24, $0x4;
	[sflag:s7] =	ssyncset.done $0x0  }
0xd: {  	s11 =	sor.u32 s1, s9;
	s9 =	simm.s32 $0x2800;
	[sflag:s7] =	ssyncadd.s32 $0xFFFFFD80  }
0xe: {  	[tilespmem:s9], [sflag:$0x3] =	stream.linear.gather [hbm4b:s4+s3], $0x2000, $0x38;
	[tilespmem:$0x4A80] =	vst v63  }
0xf: {  	s11 =	smul.u32 $0x500, s11;
	_ =	swait.ge [sflag:s7], $0x2000  }
0x10: {  	[sflag:s7] =	ssyncset.done $0x0  }
0x11: {  	s10 =	sadd.s32 s10, s11;
	s11 =	simm.s32 $0x1;
	[sflag:s7] =	ssyncadd.s32 $0xFFFFE000  }
0x12: {  	[tilespmem:s3], [sflag:$0x1] =	stream.linear.gather [hbm4b:s10+s3], $0x2800, $0x38;
	[tilespmem:$0x4A80] =	vst v63  }
0x13: {  	_ =	swait.ge [sflag:s11], $0x2800  }
0x14: {  	[sflag:s11] =	ssyncset.done $0x0  }
0x15: {  	[sflag:s11] =	ssyncadd.s32 $0xFFFFD800  }
0x16: {  	s12 =	simm.s32 $0x400;
	s13 =	simm.s32 $0x2;
	[bflag:$0x0] =	sbarrier.arrive $0xFFFF  }
0x17: {  	[spmem:s2] =	stream.indirect.scatter.add.f32 [tilespmem:s9], [sflag:$0x2], $0x1, s3, s12, $0xb8;
	[tilespmem:$0x4A80] =	vst v63  }
0x18: {  	_ =	swait.ge [sflag:s13], $0x400  }
0x19: {  	[sflag:s13] =	ssyncset.done $0x0  }
0x1a: {  	[sflag:s13] =	ssyncadd.s32 $0xFFFFFC00  }
0x1b: {  	[spmem:s2] =	stream.indirect.scatter.add.f32 [tilespmem:s9], [sflag:$0x2], $0x1, s12, s12, $0xb8;
	[tilespmem:$0x4A80] =	vst v63  }
0x1c: {  	_ =	swait.ge [sflag:s13], $0x400  }
0x1d: {  	[sflag:s13] =	ssyncset.done $0x0  }
0x1e: {  	s14 =	simm.s32 $0x800;
	[sflag:s13] =	ssyncadd.s32 $0xFFFFFC00  }
0x1f: {  	[spmem:s2] =	stream.indirect.scatter.add.f32 [tilespmem:s9], [sflag:$0x2], $0x1, s14, s12, $0xb8;
	[tilespmem:$0x4A80] =	vst v63  }
0x20: {  	_ =	swait.ge [sflag:s13], $0x400  }
0x21: {  	[sflag:s13] =	ssyncset.done $0x0  }
0x22: {  	s15 =	simm.s32 $0xC00;
	[sflag:s13] =	ssyncadd.s32 $0xFFFFFC00  }
0x23: {  	[spmem:s2] =	stream.indirect.scatter.add.f32 [tilespmem:s9], [sflag:$0x2], $0x1, s15, s12, $0xb8;
	[tilespmem:$0x4A80] =	vst v63  }
0x24: {  	_ =	swait.ge [sflag:s13], $0x400  }
0x25: {  	[sflag:s13] =	ssyncset.done $0x0  }
0x26: {  	s16 =	simm.s32 $0x1000;
	[sflag:s13] =	ssyncadd.s32 $0xFFFFFC00  }
0x27: {  	[spmem:s2] =	stream.indirect.scatter.add.f32 [tilespmem:s9], [sflag:$0x2], $0x1, s16, s12, $0xb8;
	[tilespmem:$0x4A80] =	vst v63  }
0x28: {  	_ =	swait.ge [sflag:s13], $0x400  }
0x29: {  	[sflag:s13] =	ssyncset.done $0x0  }
0x2a: {  	s17 =	simm.s32 $0x1400;
	[sflag:s13] =	ssyncadd.s32 $0xFFFFFC00  }
0x2b: {  	[spmem:s2] =	stream.indirect.scatter.add.f32 [tilespmem:s9], [sflag:$0x2], $0x1, s17, s12, $0xb8;
	[tilespmem:$0x4A80] =	vst v63  }
0x2c: {  	_ =	swait.ge [sflag:s13], $0x400  }
0x2d: {  	[sflag:s13] =	ssyncset.done $0x0  }
0x2e: {  	s18 =	simm.s32 $0x1800;
	[sflag:s13] =	ssyncadd.s32 $0xFFFFFC00  }
0x2f: {  	[spmem:s2] =	stream.indirect.scatter.add.f32 [tilespmem:s9], [sflag:$0x2], $0x1, s18, s12, $0xb8;
	[tilespmem:$0x4A80] =	vst v63  }
0x30: {  	_ =	swait.ge [sflag:s13], $0x400  }
0x31: {  	[sflag:s13] =	ssyncset.done $0x0  }
0x32: {  	s19 =	simm.s32 $0x1C00;
	[sflag:s13] =	ssyncadd.s32 $0xFFFFFC00  }
0x33: {  	[spmem:s2] =	stream.indirect.scatter.add.f32 [tilespmem:s9], [sflag:$0x2], $0x1, s19, s12, $0xb8;
	[tilespmem:$0x4A80] =	vst v63  }
0x34: {  	_ =	swait.ge [sflag:s13], $0x400  }
0x35: {  	[sflag:s13] =	ssyncset.done $0x0  }
0x36: {  	s20 =	simm.s32 $0x2000;
	s25 =	smul.u32 $0x14000, s24;
	[sflag:s13] =	ssyncadd.s32 $0xFFFFFC00  }
0x37: {  	[spmem:s2] =	stream.indirect.scatter.add.f32 [tilespmem:s9], [sflag:$0x2], $0x1, s20, s12, $0xb8;
	[tilespmem:$0x4A80] =	vst v63  }
0x38: {  	s21 =	simm.s32 $0x2400;
	s24 =	ssub.s32 $0x2, s24;
	_ =	swait.ge [sflag:s13], $0x400  }
0x39: {  	s30 =	sshrl.u32 s24, $0x1;
	s23 =	sadd.s32 s23, s25;
	[sflag:s13] =	ssyncset.done $0x0  }
0x3a: {  	s31 =	ssub.s32 s24, s30;
	s23 =	sshrl.u32 s23, $0x3;
	[sflag:s13] =	ssyncadd.s32 $0xFFFFFC00  }
0x3b: {  	[spmem:s2] =	stream.indirect.scatter.add.f32 [tilespmem:s9], [sflag:$0x2], $0x1, s21, s12, $0xb8;
	[tilespmem:$0x4A80] =	vst v63  }
0x3c: {  	s22 =	sadd.s32 s23, s22;
	s23 =	smax.u32 s31, $0x1;
	_ =	swait.ge [sflag:s13], $0x400  }
0x3d: {  	p0 =	sne.s32 s23, $0x1;
	[sflag:s13] =	ssyncset.done $0x0  }
.Ltmp0:
0x3e: {  	[sflag:s13] =	ssyncadd.s32 $0xFFFFFC00;
	(pc) =	sbr.rel @!p0 .LBB2_2-.Ltmp0, $4  }
0x3f: {  	s22 =	sadd.s32 $0xE400, s22;
	[bflag:$0x0] =	sbarrier.arrive $0xFFFF  }
0x40: {  	[hbm:s22], [sflag:s6] =	dma.local [spmem:s8], $0x280  }
0x41: {  	_ =	swait.ge [sflag:s7], $0x280  }
0x42: {  	s23 =	sadd.s32 $0xFFFFFFFF, s23;
	[sflag:s7] =	ssyncset.done $0x0  }
.LBB2_1:
0x43: {  	p0 =	sne.s32 s23, $0x1;
	s23 =	sadd.s32 $0xFFFFFFFF, s23;
	[sflag:s7] =	ssyncadd.s32 $0xFFFFFD80  }
0x44: {  	[spmem:s8], [sflag:s6] =	dma.local [hbm:s5], $0x280  }
0x45: {  	_ =	swait.ge [sflag:s7], $0x280  }
0x46: {  	[sflag:s7] =	ssyncset.done $0x0  }
0x47: {  	[sflag:s7] =	ssyncadd.s32 $0xFFFFFD80  }
0x48: {  	[tilespmem:s9], [sflag:$0x3] =	stream.linear.gather [hbm4b:s4+s3], $0x2000, $0x38;
	[tilespmem:$0x4A80] =	vst v63  }
0x49: {  	_ =	swait.ge [sflag:s7], $0x2000  }
0x4a: {  	[sflag:s7] =	ssyncset.done $0x0  }
0x4b: {  	[sflag:s7] =	ssyncadd.s32 $0xFFFFE000  }
0x4c: {  	[tilespmem:s3], [sflag:$0x1] =	stream.linear.gather [hbm4b:s10+s3], $0x2800, $0x38;
	[tilespmem:$0x4A80] =	vst v63  }
0x4d: {  	_ =	swait.ge [sflag:s11], $0x2800  }
0x4e: {  	[sflag:s11] =	ssyncset.done $0x0  }
0x4f: {  	[sflag:s11] =	ssyncadd.s32 $0xFFFFD800  }
0x50: {  	[bflag:$0x0] =	sbarrier.arrive $0xFFFF  }
0x51: {  	[spmem:s2] =	stream.indirect.scatter.add.f32 [tilespmem:s9], [sflag:$0x2], $0x1, s3, s12, $0xb8;
	[tilespmem:$0x4A80] =	vst v63  }
0x52: {  	_ =	swait.ge [sflag:s13], $0x400  }
0x53: {  	[sflag:s13] =	ssyncset.done $0x0  }
0x54: {  	[sflag:s13] =	ssyncadd.s32 $0xFFFFFC00  }
0x55: {  	[spmem:s2] =	stream.indirect.scatter.add.f32 [tilespmem:s9], [sflag:$0x2], $0x1, s12, s12, $0xb8;
	[tilespmem:$0x4A80] =	vst v63  }
0x56: {  	_ =	swait.ge [sflag:s13], $0x400  }
0x57: {  	[sflag:s13] =	ssyncset.done $0x0  }
0x58: {  	[sflag:s13] =	ssyncadd.s32 $0xFFFFFC00  }
0x59: {  	[spmem:s2] =	stream.indirect.scatter.add.f32 [tilespmem:s9], [sflag:$0x2], $0x1, s14, s12, $0xb8;
	[tilespmem:$0x4A80] =	vst v63  }
0x5a: {  	_ =	swait.ge [sflag:s13], $0x400  }
0x5b: {  	[sflag:s13] =	ssyncset.done $0x0  }
0x5c: {  	[sflag:s13] =	ssyncadd.s32 $0xFFFFFC00  }
0x5d: {  	[spmem:s2] =	stream.indirect.scatter.add.f32 [tilespmem:s9], [sflag:$0x2], $0x1, s15, s12, $0xb8;
	[tilespmem:$0x4A80] =	vst v63  }
0x5e: {  	_ =	swait.ge [sflag:s13], $0x400  }
0x5f: {  	[sflag:s13] =	ssyncset.done $0x0  }
0x60: {  	[sflag:s13] =	ssyncadd.s32 $0xFFFFFC00  }
0x61: {  	[spmem:s2] =	stream.indirect.scatter.add.f32 [tilespmem:s9], [sflag:$0x2], $0x1, s16, s12, $0xb8;
	[tilespmem:$0x4A80] =	vst v63  }
0x62: {  	_ =	swait.ge [sflag:s13], $0x400  }
0x63: {  	[sflag:s13] =	ssyncset.done $0x0  }
0x64: {  	[sflag:s13] =	ssyncadd.s32 $0xFFFFFC00  }
0x65: {  	[spmem:s2] =	stream.indirect.scatter.add.f32 [tilespmem:s9], [sflag:$0x2], $0x1, s17, s12, $0xb8;
	[tilespmem:$0x4A80] =	vst v63  }
0x66: {  	_ =	swait.ge [sflag:s13], $0x400  }
0x67: {  	[sflag:s13] =	ssyncset.done $0x0  }
0x68: {  	[sflag:s13] =	ssyncadd.s32 $0xFFFFFC00  }
0x69: {  	[spmem:s2] =	stream.indirect.scatter.add.f32 [tilespmem:s9], [sflag:$0x2], $0x1, s18, s12, $0xb8;
	[tilespmem:$0x4A80] =	vst v63  }
0x6a: {  	_ =	swait.ge [sflag:s13], $0x400  }
0x6b: {  	[sflag:s13] =	ssyncset.done $0x0  }
0x6c: {  	[sflag:s13] =	ssyncadd.s32 $0xFFFFFC00  }
0x6d: {  	[spmem:s2] =	stream.indirect.scatter.add.f32 [tilespmem:s9], [sflag:$0x2], $0x1, s19, s12, $0xb8;
	[tilespmem:$0x4A80] =	vst v63  }
0x6e: {  	_ =	swait.ge [sflag:s13], $0x400  }
0x6f: {  	[sflag:s13] =	ssyncset.done $0x0  }
0x70: {  	[sflag:s13] =	ssyncadd.s32 $0xFFFFFC00  }
0x71: {  	[spmem:s2] =	stream.indirect.scatter.add.f32 [tilespmem:s9], [sflag:$0x2], $0x1, s20, s12, $0xb8;
	[tilespmem:$0x4A80] =	vst v63  }
0x72: {  	_ =	swait.ge [sflag:s13], $0x400  }
0x73: {  	[sflag:s13] =	ssyncset.done $0x0  }
0x74: {  	[sflag:s13] =	ssyncadd.s32 $0xFFFFFC00  }
0x75: {  	[spmem:s2] =	stream.indirect.scatter.add.f32 [tilespmem:s9], [sflag:$0x2], $0x1, s21, s12, $0xb8;
	[tilespmem:$0x4A80] =	vst v63  }
0x76: {  	_ =	swait.ge [sflag:s13], $0x400  }
0x77: {  	[sflag:s13] =	ssyncset.done $0x0  }
.Ltmp1:
0x78: {  	[sflag:s13] =	ssyncadd.s32 $0xFFFFFC00;
	(pc) =	sbr.rel @p0 .LBB2_1-.Ltmp1, $4  }
0x79: {  	[bflag:$0x0] =	sbarrier.arrive $0xFFFF  }
0x7a: {  	[hbm:s22], [sflag:s6] =	dma.local [spmem:s8], $0x280  }
0x7b: {  	_ =	swait.ge [sflag:s7], $0x280  }
0x7c: {  	[sflag:s7] =	ssyncset.done $0x0  }
.LBB2_2:
0x7d: {  	[sflag:s7] =	ssyncadd.s32 $0xFFFFFD80  }
0x7e: {  	_ =	sfence.sel $0x180000  }
0x7f: {  	[bflag:$0x0] =	sbarrier.arrive $0xFFFF  }
0x80: {  	p0 =	sne.s32 s1, $0x0;
	_ =	strace $0x90000047  }
0x81: {  	s0 =	sadd.s32 @!p0 $0x100000, s0;
	[bflag:$0x2] =	sbarrier.arrive $0xFFFF  }
0x82: {  	[sflag:s0] =	ssyncadd.tile.s32 @!p0 $0x1;
	_ =	shalt  }
.Lfunc_end2:
_tile_overlayer_lowered:
.L_overlay_start_2:
0x83: {  	(tag) =	ssettag $0x2  }
0x84: {  	s0 =	rddreg [dreg:$0x0];
	s2 =	stileid.u32  }
0x85: {  	s1 =	rddreg [dreg:$0x1];
	p0 =	sne.s32 s2, $0x0  }
0x86: {  	s3 =	rddreg [dreg:$0x2];
	[bflag:$0x3] =	sbarrier.arrive $0xFFFF;
	s2 =	simm.s32 @!p0 $0x1C03  }
0x87: {  	[timem:s3], [sflag:s2] =	dma.local @!p0 [hbm:s0], s1  }
0x88: {  	s0 =	simm.s32 @!p0 $0x3  }
0x89: {  	_ =	swait.ge @!p0 [sflag:s0], s1  }
0x8a: {  	s1 =	ssub.s32 @!p0 $0x0, s1;
	[sflag:s0] =	ssyncset.done @!p0 $0x0  }
0x8b: {  	[sflag:s0] =	ssyncadd.s32 @!p0 s1  }
0x8c: {  	[bflag:$0x3] =	sbarrier.arrive $0xFFFF  }
0x8d: {  	_ =	shalt  }

</sc_bundles>
